<compile_context>
chip_gen: v7x
topology: tpu7x:2x2x1
jax: 0.10.2.dev20260603
libtpu: 0.0.44.dev20260713+nightly
codegen_flags: <defaults>
</compile_context>

<pallas_src>
import functools

import jax
import jax.numpy as jnp
from jax import lax
from jax.experimental import pallas as pl
from jax.experimental.pallas import tpu as pltpu
from jax.experimental.pallas import tpu_sc as plsc

TOPK = 4000
NHEADS = 8
DHEAD = 128



def _mm_kernel(a_ref, b_ref, o_ref):
    o_ref[...] = jnp.dot(
        a_ref[...], b_ref[...], preferred_element_type=jnp.float32
    ).astype(o_ref.dtype)


def _mm_bias_kernel(a_ref, b_ref, bias_ref, o_ref):
    o_ref[...] = (
        jnp.dot(a_ref[...], b_ref[...], preferred_element_type=jnp.float32)
        + bias_ref[...]
    )


def _matmul(a, b, blk=512, out_dtype=jnp.float32):
    m, k = a.shape
    n = b.shape[1]
    return pl.pallas_call(
        _mm_kernel,
        grid=(m // blk,),
        in_specs=[
            pl.BlockSpec((blk, k), lambda i: (i, 0)),
            pl.BlockSpec((k, n), lambda i: (0, 0)),
        ],
        out_specs=pl.BlockSpec((blk, n), lambda i: (i, 0)),
        out_shape=jax.ShapeDtypeStruct((m, n), out_dtype),
    )(a, b)


def _matmul_bias(a, b, bias, blk=512):
    m, k = a.shape
    n = b.shape[1]
    return pl.pallas_call(
        _mm_bias_kernel,
        grid=(m // blk,),
        in_specs=[
            pl.BlockSpec((blk, k), lambda i: (i, 0)),
            pl.BlockSpec((k, n), lambda i: (0, 0)),
            pl.BlockSpec((1, n), lambda i: (0, 0)),
        ],
        out_specs=pl.BlockSpec((blk, n), lambda i: (i, 0)),
        out_shape=jax.ShapeDtypeStruct((m, n), jnp.float32),
    )(a, b, bias.reshape(1, n))



def _conv_kernel(hp_ref, hs_ref, w0_ref, w1_ref, w2_ref, b_ref, o_ref):
    c = w0_ref.shape[0]
    acc = jnp.dot(hp_ref[:, :c], w0_ref[...], preferred_element_type=jnp.float32)
    acc += jnp.dot(hp_ref[:, c:], w1_ref[...], preferred_element_type=jnp.float32)
    acc += jnp.dot(hs_ref[...], w2_ref[...], preferred_element_type=jnp.float32)
    o_ref[...] = jax.nn.gelu(acc + b_ref[...])


def _conv_block(h, w, b):
    bsz, lin, c = h.shape
    lout = lin // 2
    hp = h.reshape(bsz, lout, 2 * c)
    hs = jnp.concatenate(
        [hp[:, 1:, :c], jnp.zeros((bsz, 1, c), jnp.float32)], axis=1
    )
    rows = bsz * lout
    blk = min(512, rows)
    out = pl.pallas_call(
        _conv_kernel,
        grid=(rows // blk,),
        in_specs=[
            pl.BlockSpec((blk, 2 * c), lambda i: (i, 0)),
            pl.BlockSpec((blk, c), lambda i: (i, 0)),
            pl.BlockSpec((c, c), lambda i: (0, 0)),
            pl.BlockSpec((c, c), lambda i: (0, 0)),
            pl.BlockSpec((c, c), lambda i: (0, 0)),
            pl.BlockSpec((1, c), lambda i: (0, 0)),
        ],
        out_specs=pl.BlockSpec((blk, c), lambda i: (i, 0)),
        out_shape=jax.ShapeDtypeStruct((rows, c), jnp.float32),
    )(
        hp.reshape(rows, 2 * c),
        hs.reshape(rows, c),
        w[0],
        w[1],
        w[2],
        b.reshape(1, c),
    )
    return out.reshape(bsz, lout, c)



def _rank_kernel(s_ref, st_ref, ones_ref, out_ref):
    bsz, n = s_ref.shape
    jblk = 512
    for b in range(bsz):
        scol = st_ref[:, b : b + 1]
        acc = jnp.zeros((n, 128), jnp.float32)
        for jb in range(n // jblk):
            srow = s_ref[b : b + 1, jb * jblk : (jb + 1) * jblk]
            jj = lax.broadcasted_iota(jnp.int32, (n, jblk), 1) + jb * jblk
            ii = lax.broadcasted_iota(jnp.int32, (n, jblk), 0)
            m = ((srow > scol) | ((srow == scol) & (jj < ii))).astype(jnp.float32)
            acc += jnp.dot(m, ones_ref[...], preferred_element_type=jnp.float32)
        out_ref[:, b : b + 1] = acc[:, 0:1].astype(jnp.int32) + b * n


def _rank_full(s):
    bsz, n = s.shape
    return pl.pallas_call(
        _rank_kernel,
        in_specs=[
            pl.BlockSpec((bsz, n), lambda: (0, 0)),
            pl.BlockSpec((n, bsz), lambda: (0, 0)),
            pl.BlockSpec((512, 128), lambda: (0, 0)),
        ],
        out_specs=pl.BlockSpec((n, bsz), lambda: (0, 0)),
        out_shape=jax.ShapeDtypeStruct((n, bsz), jnp.int32),
    )(s, s.T, jnp.ones((512, 128), jnp.float32))



def _attn_kernel(q_ref, k_ref, v_ref, wf_ref, bp_ref, o_ref):
    q = q_ref[...]
    k = k_ref[0]
    v = v_ref[0]
    scale = 1.0 / (DHEAD ** 0.5)
    outs = []
    for h in range(NHEADS):
        sl = slice(h * DHEAD, (h + 1) * DHEAD)
        qh = q[:, sl]
        kh = k[:, sl]
        vh = v[:, sl]
        scores = (
            lax.dot_general(qh, kh, (((1,), (1,)), ((), ())),
                            preferred_element_type=jnp.float32)
            * scale
        )
        m = jnp.max(scores, axis=-1, keepdims=True)
        p = jnp.exp(scores - m)
        p = p / jnp.sum(p, axis=-1, keepdims=True)
        outs.append(
            jnp.dot(p.astype(vh.dtype), vh, preferred_element_type=jnp.float32)
        )
    o = jnp.concatenate(outs, axis=1)
    o_ref[...] = (
        jnp.dot(o.astype(wf_ref.dtype), wf_ref[...],
                preferred_element_type=jnp.float32)
        + bp_ref[...]
    )[None]


def _attention(qpre, k3, v3, wfold, b_pool, mblk=512):
    bsz, lc, c = k3.shape
    m = qpre.shape[0]
    return pl.pallas_call(
        _attn_kernel,
        grid=(bsz, m // mblk),
        in_specs=[
            pl.BlockSpec((mblk, c), lambda b, i: (i, 0)),
            pl.BlockSpec((1, lc, c), lambda b, i: (b, 0, 0)),
            pl.BlockSpec((1, lc, c), lambda b, i: (b, 0, 0)),
            pl.BlockSpec((c, c), lambda b, i: (0, 0)),
            pl.BlockSpec((1, c), lambda b, i: (0, 0)),
        ],
        out_specs=pl.BlockSpec((1, mblk, c), lambda b, i: (b, i, 0)),
        out_shape=jax.ShapeDtypeStruct((bsz, m, c), jnp.float32),
    )(qpre, k3, v3, wfold, b_pool.reshape(1, c))


def _kv_kernel(cf_ref, wk_ref, wv_ref, k_ref, v_ref):
    cf = cf_ref[0]
    k_ref[...] = jnp.dot(cf, wk_ref[...], preferred_element_type=jnp.float32)[
        None
    ].astype(k_ref.dtype)
    v_ref[...] = jnp.dot(cf, wv_ref[...], preferred_element_type=jnp.float32)[
        None
    ].astype(v_ref.dtype)


def _kv(conv_feats, wk, wv):
    bsz, lc, c = conv_feats.shape
    return pl.pallas_call(
        _kv_kernel,
        grid=(bsz,),
        in_specs=[
            pl.BlockSpec((1, lc, c), lambda b: (b, 0, 0)),
            pl.BlockSpec((c, c), lambda b: (0, 0)),
            pl.BlockSpec((c, c), lambda b: (0, 0)),
        ],
        out_specs=[
            pl.BlockSpec((1, lc, c), lambda b: (b, 0, 0)),
            pl.BlockSpec((1, lc, c), lambda b: (b, 0, 0)),
        ],
        out_shape=[
            jax.ShapeDtypeStruct((bsz, lc, c), conv_feats.dtype),
            jax.ShapeDtypeStruct((bsz, lc, c), conv_feats.dtype),
        ],
    )(conv_feats, wk, wv)



def _sc_scatter(table, rank_all, vals):
    r, d = table.shape
    info = plsc.get_sparse_core_info()
    nw = info.num_cores * info.num_subcores
    per_w = r // nw
    ch = 64
    n_ch = per_w // ch
    nc = info.num_cores
    mesh = plsc.VectorSubcoreMesh(core_axis_name="c", subcore_axis_name="s")

    @functools.partial(
        pl.kernel,
        out_type=[
            jax.ShapeDtypeStruct((r, d), jnp.float32),
            jax.ShapeDtypeStruct((r,), jnp.int32),
        ],
        mesh=mesh,
        scratch_types=[
            pltpu.VMEM((ch,), jnp.int32),
            pltpu.VMEM((ch,), jnp.int32),
            pltpu.VMEM((ch, d), jnp.float32),
            pltpu.SemaphoreType.DMA,
        ],
    )
    def sk(table_hbm, rank_hbm, vals_hbm, rows_out, idx_out, rank_v, vals_v,
           rows_v, sem):
        wid = lax.axis_index("s") * nc + lax.axis_index("c")
        base = wid * per_w
        for c in range(n_ch):
            off = base + c * ch
            pltpu.sync_copy(rank_hbm.at[pl.ds(off, ch)], rank_v)
            pltpu.sync_copy(table_hbm.at[pl.ds(off, ch)], rows_v)
            pltpu.async_copy(rows_v, rows_out.at[rank_v], sem).wait()
            pltpu.sync_copy(vals_hbm.at[pl.ds(off, ch)], vals_v)
            pltpu.async_copy(vals_v, idx_out.at[rank_v], sem).wait()

    return sk(table, rank_all, vals)



def kernel(embeddings, W_proj, b_proj, conv_w0, conv_b0, conv_w1, conv_b1,
           conv_w2, conv_b2, queries, Wq, Wk, Wv, Wo, w_score, b_score,
           W_pool, b_pool, W_pass, b_pass):
    bsz, l, d = embeddings.shape

    x = embeddings @ W_proj + b_proj
    h0 = lax.conv_general_dilated(
        x, conv_w0, window_strides=(2,), padding="SAME",
        dimension_numbers=("NWC", "WIO", "NWC"),
    ) + conv_b0
    h0 = jax.nn.gelu(h0)
    s = x @ w_score + b_score

    h1 = _conv_block(h0, conv_w1, conv_b1)
    conv_feats = _conv_block(h1, conv_w2, conv_b2)

    rank_nb = _rank_full(s)
    rank_all = rank_nb.T.reshape(bsz * l)
    vals = jnp.tile(jnp.arange(l, dtype=jnp.int32), bsz)

    pass_full = _matmul_bias(embeddings.reshape(bsz * l, d), W_pass, b_pass)
    rows_out, idx_all = _sc_scatter(pass_full, rank_all, vals)
    idx = idx_all.reshape(bsz, l)[:, :TOPK]
    t_pass = rows_out.reshape(bsz, l, -1)[:, :TOPK, :]

    qpre = _matmul(queries, Wq)
    k3, v3 = _kv(conv_feats, Wk, Wv)
    wfold = _matmul(Wo, W_pool)
    t_pool = _attention(qpre, k3, v3, wfold, b_pool)

    transformer_input = jnp.concatenate([t_pool, t_pass], axis=1)
    return (transformer_input, idx, conv_feats)

# --- scband reference (transcript-rebuilt; emitter-appended) ---
"""Pipeline reference for scband-hybrid-compressor-90761248899104 (READ-ONLY COPY).

The authoritative reference and input builder live on the scoring server;
editing this copy changes nothing except your own understanding.
"""

import jax, jax.numpy as jnp
import numpy as np

B = 2
L = 4096
D = 1024
DPROJ = 1024
DMODEL = 1024
CONV_BLOCKS = 3
POOL_M = 4096
POOL_HEADS = 8
TOPK = 4000


def setup_inputs(seed: int = 0) -> dict:
    key = jax.random.key(seed)
    ks = jax.random.split(key, 24)
    s = 0.02
    inp = {}
    inp["embeddings"] = jax.random.normal(ks[0], (B, L, D), dtype=jnp.float32)
    inp["W_proj"] = jax.random.normal(ks[1], (D, DPROJ), dtype=jnp.float32) * s
    inp["b_proj"] = jnp.zeros((DPROJ,), dtype=jnp.float32)
    for i in range(CONV_BLOCKS):
        inp[f"conv_w{i}"] = jax.random.normal(ks[2 + i], (3, DPROJ, DPROJ), dtype=jnp.float32) * s
        inp[f"conv_b{i}"] = jnp.zeros((DPROJ,), dtype=jnp.float32)
    inp["queries"] = jax.random.normal(ks[6], (POOL_M, DPROJ), dtype=jnp.float32) * s
    inp["Wq"] = jax.random.normal(ks[7], (DPROJ, DPROJ), dtype=jnp.float32) * s
    inp["Wk"] = jax.random.normal(ks[8], (DPROJ, DPROJ), dtype=jnp.float32) * s
    inp["Wv"] = jax.random.normal(ks[9], (DPROJ, DPROJ), dtype=jnp.float32) * s
    inp["Wo"] = jax.random.normal(ks[10], (DPROJ, DPROJ), dtype=jnp.float32) * s
    inp["w_score"] = jax.random.normal(ks[11], (DPROJ,), dtype=jnp.float32) * s
    inp["b_score"] = jnp.zeros((), dtype=jnp.float32)
    inp["W_pool"] = jax.random.normal(ks[12], (DPROJ, DMODEL), dtype=jnp.float32) * s
    inp["b_pool"] = jnp.zeros((DMODEL,), dtype=jnp.float32)
    inp["W_pass"] = jax.random.normal(ks[13], (DPROJ, DMODEL), dtype=jnp.float32) * s
    inp["b_pass"] = jnp.zeros((DMODEL,), dtype=jnp.float32)
    return inp


def reference(embeddings, W_proj, b_proj, conv_w0, conv_b0, conv_w1, conv_b1, conv_w2, conv_b2, queries, Wq, Wk, Wv, Wo, w_score, b_score, W_pool, b_pool, W_pass, b_pass):
    # EmbeddingProjection (no table, just linear proj)
    x = embeddings @ W_proj + b_proj  # (B, L, Dproj)
    # ConvDownsampleStack: 3 strided conv1d blocks, each halving the sequence length
    h = x
    for w, b in ((conv_w0, conv_b0), (conv_w1, conv_b1), (conv_w2, conv_b2)):
        h = jax.lax.conv_general_dilated(h, w, window_strides=(2,), padding='SAME', dimension_numbers=('NWC', 'WIO', 'NWC')) + b
        h = jax.nn.gelu(h)
    conv_feats = h  # (B, Lc, Dproj) with Lc = L / 8
    # AttentionPooling: M learned queries cross-attend over conv_feats
    dh = DPROJ // POOL_HEADS
    Lc = conv_feats.shape[1]
    q = (queries @ Wq).reshape(POOL_M, POOL_HEADS, dh).transpose(1, 0, 2)  # (H, M, dh)
    k = (conv_feats @ Wk).reshape(B, Lc, POOL_HEADS, dh).transpose(0, 2, 1, 3)  # (B, H, Lc, dh)
    v = (conv_feats @ Wv).reshape(B, Lc, POOL_HEADS, dh).transpose(0, 2, 1, 3)
    scores = jnp.einsum('hmd,bhnd->bhmn', q, k) / jnp.sqrt(jnp.asarray(dh, jnp.float32))
    attn = jax.nn.softmax(scores, axis=-1)
    o = jnp.einsum('bhmn,bhnd->bhmd', attn, v).transpose(0, 2, 1, 3).reshape(B, POOL_M, DPROJ)
    pooled = o @ Wo  # (B, M, Dproj)
    # TopKSelector: scalar scorer + top-k passthrough token selection (keep_recent=0 path)
    sel_scores = x @ w_score + b_score  # (B, L)
    _, idx = jax.lax.top_k(sel_scores, TOPK)  # (B, K)
    passthrough = jnp.take_along_axis(embeddings, idx[..., None], axis=1)  # (B, K, D)
    # Composer: project pooled and passthrough to Dmodel, concatenate (interleave=False)
    t_pool = pooled @ W_pool + b_pool
    t_pass = passthrough @ W_pass + b_pass
    transformer_input = jnp.concatenate([t_pool, t_pass], axis=1)  # (B, M + K, Dmodel)
    return (transformer_input, idx, conv_feats)

if __name__ == "__main__":
    import jax
    _d = setup_inputs()
    print(jax.jit(kernel)(*tuple(_d.values())))

</pallas_src>

<mosaic_0001>
#map = affine_map<(d0, d1) -> (0, 0)>
#map1 = affine_map<(d0, d1) -> (0)>
module attributes {stable_mosaic.version = 14 : i64} {
  func.func @sk(%arg0: i32, %arg1: i32, %arg2: memref<8192x1024xf32, #tpu.memory_space<hbm>>, %arg3: memref<8192xi32, #tpu.memory_space<hbm>>, %arg4: memref<8192xi32, #tpu.memory_space<hbm>>, %arg5: memref<8192x1024xf32, #tpu.memory_space<hbm>>, %arg6: memref<8192xi32, #tpu.memory_space<hbm>>, %arg7: memref<64xi32, #tpu.memory_space<vmem>>, %arg8: memref<64xi32, #tpu.memory_space<vmem>>, %arg9: memref<64x1024xf32, #tpu.memory_space<vmem>>, %arg10: memref<!tpu.dma_semaphore, #tpu.memory_space<semaphore_mem>>) attributes {dimension_semantics = [#tpu.dimension_semantics<core_parallel>, #tpu.dimension_semantics<subcore_parallel>], iteration_bounds = array<i64: 2, 16>, scalar_prefetch = 0 : i64, scratch_operands = 4 : i64, tpu.core_type = #tpu.core_type<sc_vector_subcore>, window_params = [{transform_indices = #map}, {transform_indices = #map1}, {transform_indices = #map1}, {transform_indices = #map}, {transform_indices = #map1}]} {
    %mul3A = arith.constant 2 : i32
    %mul3A_0 = arith.muli %arg1, %mul3A : i32
    %add3A = arith.addi %mul3A_0, %arg0 : i32
    %mul3A_1 = arith.constant 256 : i32
    %mul3A_2 = arith.muli %add3A, %mul3A_1 : i32
    %add3A_3 = arith.constant 0 : i32
    %add3A_4 = arith.addi %mul3A_2, %add3A_3 : i32
    "tpu.region"() ({
      %run_scoped3A = tpu.sem_alloc : memref<!tpu.dma_semaphore, #tpu.memory_space<semaphore_mem>>
      %dma_start3A_49 = tpu.memref_slice %arg3[%add3A_4] : memref<8192xi32, #tpu.memory_space<hbm>> -> memref<64xi32, #tpu.memory_space<hbm>>
      %dma_start3A_50 = tpu.memref_slice %arg3[%add3A_4] : memref<8192xi32, #tpu.memory_space<hbm>> -> memref<64xi32, #tpu.memory_space<hbm>>
      tpu.enqueue_dma source(%dma_start3A_50 : memref<64xi32, #tpu.memory_space<hbm>>) target(%arg7 : memref<64xi32, #tpu.memory_space<vmem>>) target_semaphore(%run_scoped3A : memref<!tpu.dma_semaphore, #tpu.memory_space<semaphore_mem>>)
      %dma_wait3A_51 = tpu.memref_slice %arg3[%add3A_4] : memref<8192xi32, #tpu.memory_space<hbm>> -> memref<64xi32, #tpu.memory_space<hbm>>
      %dma_wait3A_52 = tpu.memref_slice %arg3[%add3A_4] : memref<8192xi32, #tpu.memory_space<hbm>> -> memref<64xi32, #tpu.memory_space<hbm>>
      tpu.wait_dma2 semaphore(%run_scoped3A : memref<!tpu.dma_semaphore, #tpu.memory_space<semaphore_mem>>) src(%dma_wait3A_52 : memref<64xi32, #tpu.memory_space<hbm>>) dst(%arg7 : memref<64xi32, #tpu.memory_space<vmem>>)
      tpu.yield
    }) : () -> ()
    "tpu.region"() ({
      %run_scoped3A = tpu.sem_alloc : memref<!tpu.dma_semaphore, #tpu.memory_space<semaphore_mem>>
      %dma_start3A_49 = arith.constant 0 : i32
      %dma_start3A_50 = tpu.memref_slice %arg2[%add3A_4, %dma_start3A_49] : memref<8192x1024xf32, #tpu.memory_space<hbm>> -> memref<64x1024xf32, #tpu.memory_space<hbm>>
      %dma_start3A_51 = arith.constant 0 : i32
      %dma_start3A_52 = tpu.memref_slice %arg2[%add3A_4, %dma_start3A_51] : memref<8192x1024xf32, #tpu.memory_space<hbm>> -> memref<64x1024xf32, #tpu.memory_space<hbm>>
      tpu.enqueue_dma source(%dma_start3A_52 : memref<64x1024xf32, #tpu.memory_space<hbm>>) target(%arg9 : memref<64x1024xf32, #tpu.memory_space<vmem>>) target_semaphore(%run_scoped3A : memref<!tpu.dma_semaphore, #tpu.memory_space<semaphore_mem>>)
      %dma_wait3A_53 = arith.constant 0 : i32
      %dma_wait3A_54 = tpu.memref_slice %arg2[%add3A_4, %dma_wait3A_53] : memref<8192x1024xf32, #tpu.memory_space<hbm>> -> memref<64x1024xf32, #tpu.memory_space<hbm>>
      %dma_wait3A_55 = arith.constant 0 : i32
      %dma_wait3A_56 = tpu.memref_slice %arg2[%add3A_4, %dma_wait3A_55] : memref<8192x1024xf32, #tpu.memory_space<hbm>> -> memref<64x1024xf32, #tpu.memory_space<hbm>>
      tpu.wait_dma2 semaphore(%run_scoped3A : memref<!tpu.dma_semaphore, #tpu.memory_space<semaphore_mem>>) src(%dma_wait3A_56 : memref<64x1024xf32, #tpu.memory_space<hbm>>) dst(%arg9 : memref<64x1024xf32, #tpu.memory_space<vmem>>)
      tpu.yield
    }) : () -> ()
    %dma_start3A = arith.constant 0 : i32
    %dma_start3A_5 = arith.constant 0 : i32
    %dma_start3A_6 = tpu.memref_slice %arg5[%dma_start3A, %dma_start3A_5] : memref<8192x1024xf32, #tpu.memory_space<hbm>> -> memref<8192x1024xf32, #tpu.memory_space<hbm>>
    tpu.enqueue_indirect_dma source(%arg9 : memref<64x1024xf32, #tpu.memory_space<vmem>>) target(%dma_start3A_6 : memref<8192x1024xf32, #tpu.memory_space<hbm>>) offsets(%arg7 : memref<64xi32, #tpu.memory_space<vmem>>) semaphore(%arg10 : memref<!tpu.dma_semaphore, #tpu.memory_space<semaphore_mem>>)
    %dma_wait3A = arith.constant 0 : i32
    %dma_wait3A_7 = arith.constant 0 : i32
    %dma_wait3A_8 = tpu.memref_slice %arg5[%dma_wait3A, %dma_wait3A_7] : memref<8192x1024xf32, #tpu.memory_space<hbm>> -> memref<8192x1024xf32, #tpu.memory_space<hbm>>
    tpu.wait_indirect_dma semaphore(%arg10 : memref<!tpu.dma_semaphore, #tpu.memory_space<semaphore_mem>>) src(%arg9 : memref<64x1024xf32, #tpu.memory_space<vmem>>) dst(%dma_wait3A_8 : memref<8192x1024xf32, #tpu.memory_space<hbm>>)
    "tpu.region"() ({
      %run_scoped3A = tpu.sem_alloc : memref<!tpu.dma_semaphore, #tpu.memory_space<semaphore_mem>>
      %dma_start3A_49 = tpu.memref_slice %arg4[%add3A_4] : memref<8192xi32, #tpu.memory_space<hbm>> -> memref<64xi32, #tpu.memory_space<hbm>>
      %dma_start3A_50 = tpu.memref_slice %arg4[%add3A_4] : memref<8192xi32, #tpu.memory_space<hbm>> -> memref<64xi32, #tpu.memory_space<hbm>>
      tpu.enqueue_dma source(%dma_start3A_50 : memref<64xi32, #tpu.memory_space<hbm>>) target(%arg8 : memref<64xi32, #tpu.memory_space<vmem>>) target_semaphore(%run_scoped3A : memref<!tpu.dma_semaphore, #tpu.memory_space<semaphore_mem>>)
      %dma_wait3A_51 = tpu.memref_slice %arg4[%add3A_4] : memref<8192xi32, #tpu.memory_space<hbm>> -> memref<64xi32, #tpu.memory_space<hbm>>
      %dma_wait3A_52 = tpu.memref_slice %arg4[%add3A_4] : memref<8192xi32, #tpu.memory_space<hbm>> -> memref<64xi32, #tpu.memory_space<hbm>>
      tpu.wait_dma2 semaphore(%run_scoped3A : memref<!tpu.dma_semaphore, #tpu.memory_space<semaphore_mem>>) src(%dma_wait3A_52 : memref<64xi32, #tpu.memory_space<hbm>>) dst(%arg8 : memref<64xi32, #tpu.memory_space<vmem>>)
      tpu.yield
    }) : () -> ()
    %dma_start3A_9 = arith.constant 0 : i32
    %dma_start3A_10 = tpu.memref_slice %arg6[%dma_start3A_9] : memref<8192xi32, #tpu.memory_space<hbm>> -> memref<8192xi32, #tpu.memory_space<hbm>>
    tpu.enqueue_indirect_dma source(%arg8 : memref<64xi32, #tpu.memory_space<vmem>>) target(%dma_start3A_10 : memref<8192xi32, #tpu.memory_space<hbm>>) offsets(%arg7 : memref<64xi32, #tpu.memory_space<vmem>>) semaphore(%arg10 : memref<!tpu.dma_semaphore, #tpu.memory_space<semaphore_mem>>)
    %dma_wait3A_11 = arith.constant 0 : i32
    %dma_wait3A_12 = tpu.memref_slice %arg6[%dma_wait3A_11] : memref<8192xi32, #tpu.memory_space<hbm>> -> memref<8192xi32, #tpu.memory_space<hbm>>
    tpu.wait_indirect_dma semaphore(%arg10 : memref<!tpu.dma_semaphore, #tpu.memory_space<semaphore_mem>>) src(%arg8 : memref<64xi32, #tpu.memory_space<vmem>>) dst(%dma_wait3A_12 : memref<8192xi32, #tpu.memory_space<hbm>>)
    %add3A_13 = arith.constant 64 : i32
    %add3A_14 = arith.addi %mul3A_2, %add3A_13 : i32
    "tpu.region"() ({
      %run_scoped3A = tpu.sem_alloc : memref<!tpu.dma_semaphore, #tpu.memory_space<semaphore_mem>>
      %dma_start3A_49 = tpu.memref_slice %arg3[%add3A_14] : memref<8192xi32, #tpu.memory_space<hbm>> -> memref<64xi32, #tpu.memory_space<hbm>>
      %dma_start3A_50 = tpu.memref_slice %arg3[%add3A_14] : memref<8192xi32, #tpu.memory_space<hbm>> -> memref<64xi32, #tpu.memory_space<hbm>>
      tpu.enqueue_dma source(%dma_start3A_50 : memref<64xi32, #tpu.memory_space<hbm>>) target(%arg7 : memref<64xi32, #tpu.memory_space<vmem>>) target_semaphore(%run_scoped3A : memref<!tpu.dma_semaphore, #tpu.memory_space<semaphore_mem>>)
      %dma_wait3A_51 = tpu.memref_slice %arg3[%add3A_14] : memref<8192xi32, #tpu.memory_space<hbm>> -> memref<64xi32, #tpu.memory_space<hbm>>
      %dma_wait3A_52 = tpu.memref_slice %arg3[%add3A_14] : memref<8192xi32, #tpu.memory_space<hbm>> -> memref<64xi32, #tpu.memory_space<hbm>>
      tpu.wait_dma2 semaphore(%run_scoped3A : memref<!tpu.dma_semaphore, #tpu.memory_space<semaphore_mem>>) src(%dma_wait3A_52 : memref<64xi32, #tpu.memory_space<hbm>>) dst(%arg7 : memref<64xi32, #tpu.memory_space<vmem>>)
      tpu.yield
    }) : () -> ()
    "tpu.region"() ({
      %run_scoped3A = tpu.sem_alloc : memref<!tpu.dma_semaphore, #tpu.memory_space<semaphore_mem>>
      %dma_start3A_49 = arith.constant 0 : i32
      %dma_start3A_50 = tpu.memref_slice %arg2[%add3A_14, %dma_start3A_49] : memref<8192x1024xf32, #tpu.memory_space<hbm>> -> memref<64x1024xf32, #tpu.memory_space<hbm>>
      %dma_start3A_51 = arith.constant 0 : i32
      %dma_start3A_52 = tpu.memref_slice %arg2[%add3A_14, %dma_start3A_51] : memref<8192x1024xf32, #tpu.memory_space<hbm>> -> memref<64x1024xf32, #tpu.memory_space<hbm>>
      tpu.enqueue_dma source(%dma_start3A_52 : memref<64x1024xf32, #tpu.memory_space<hbm>>) target(%arg9 : memref<64x1024xf32, #tpu.memory_space<vmem>>) target_semaphore(%run_scoped3A : memref<!tpu.dma_semaphore, #tpu.memory_space<semaphore_mem>>)
      %dma_wait3A_53 = arith.constant 0 : i32
      %dma_wait3A_54 = tpu.memref_slice %arg2[%add3A_14, %dma_wait3A_53] : memref<8192x1024xf32, #tpu.memory_space<hbm>> -> memref<64x1024xf32, #tpu.memory_space<hbm>>
      %dma_wait3A_55 = arith.constant 0 : i32
      %dma_wait3A_56 = tpu.memref_slice %arg2[%add3A_14, %dma_wait3A_55] : memref<8192x1024xf32, #tpu.memory_space<hbm>> -> memref<64x1024xf32, #tpu.memory_space<hbm>>
      tpu.wait_dma2 semaphore(%run_scoped3A : memref<!tpu.dma_semaphore, #tpu.memory_space<semaphore_mem>>) src(%dma_wait3A_56 : memref<64x1024xf32, #tpu.memory_space<hbm>>) dst(%arg9 : memref<64x1024xf32, #tpu.memory_space<vmem>>)
      tpu.yield
    }) : () -> ()
    %dma_start3A_15 = arith.constant 0 : i32
    %dma_start3A_16 = arith.constant 0 : i32
    %dma_start3A_17 = tpu.memref_slice %arg5[%dma_start3A_15, %dma_start3A_16] : memref<8192x1024xf32, #tpu.memory_space<hbm>> -> memref<8192x1024xf32, #tpu.memory_space<hbm>>
    tpu.enqueue_indirect_dma source(%arg9 : memref<64x1024xf32, #tpu.memory_space<vmem>>) target(%dma_start3A_17 : memref<8192x1024xf32, #tpu.memory_space<hbm>>) offsets(%arg7 : memref<64xi32, #tpu.memory_space<vmem>>) semaphore(%arg10 : memref<!tpu.dma_semaphore, #tpu.memory_space<semaphore_mem>>)
    %dma_wait3A_18 = arith.constant 0 : i32
    %dma_wait3A_19 = arith.constant 0 : i32
    %dma_wait3A_20 = tpu.memref_slice %arg5[%dma_wait3A_18, %dma_wait3A_19] : memref<8192x1024xf32, #tpu.memory_space<hbm>> -> memref<8192x1024xf32, #tpu.memory_space<hbm>>
    tpu.wait_indirect_dma semaphore(%arg10 : memref<!tpu.dma_semaphore, #tpu.memory_space<semaphore_mem>>) src(%arg9 : memref<64x1024xf32, #tpu.memory_space<vmem>>) dst(%dma_wait3A_20 : memref<8192x1024xf32, #tpu.memory_space<hbm>>)
    "tpu.region"() ({
      %run_scoped3A = tpu.sem_alloc : memref<!tpu.dma_semaphore, #tpu.memory_space<semaphore_mem>>
      %dma_start3A_49 = tpu.memref_slice %arg4[%add3A_14] : memref<8192xi32, #tpu.memory_space<hbm>> -> memref<64xi32, #tpu.memory_space<hbm>>
      %dma_start3A_50 = tpu.memref_slice %arg4[%add3A_14] : memref<8192xi32, #tpu.memory_space<hbm>> -> memref<64xi32, #tpu.memory_space<hbm>>
      tpu.enqueue_dma source(%dma_start3A_50 : memref<64xi32, #tpu.memory_space<hbm>>) target(%arg8 : memref<64xi32, #tpu.memory_space<vmem>>) target_semaphore(%run_scoped3A : memref<!tpu.dma_semaphore, #tpu.memory_space<semaphore_mem>>)
      %dma_wait3A_51 = tpu.memref_slice %arg4[%add3A_14] : memref<8192xi32, #tpu.memory_space<hbm>> -> memref<64xi32, #tpu.memory_space<hbm>>
      %dma_wait3A_52 = tpu.memref_slice %arg4[%add3A_14] : memref<8192xi32, #tpu.memory_space<hbm>> -> memref<64xi32, #tpu.memory_space<hbm>>
      tpu.wait_dma2 semaphore(%run_scoped3A : memref<!tpu.dma_semaphore, #tpu.memory_space<semaphore_mem>>) src(%dma_wait3A_52 : memref<64xi32, #tpu.memory_space<hbm>>) dst(%arg8 : memref<64xi32, #tpu.memory_space<vmem>>)
      tpu.yield
    }) : () -> ()
    %dma_start3A_21 = arith.constant 0 : i32
    %dma_start3A_22 = tpu.memref_slice %arg6[%dma_start3A_21] : memref<8192xi32, #tpu.memory_space<hbm>> -> memref<8192xi32, #tpu.memory_space<hbm>>
    tpu.enqueue_indirect_dma source(%arg8 : memref<64xi32, #tpu.memory_space<vmem>>) target(%dma_start3A_22 : memref<8192xi32, #tpu.memory_space<hbm>>) offsets(%arg7 : memref<64xi32, #tpu.memory_space<vmem>>) semaphore(%arg10 : memref<!tpu.dma_semaphore, #tpu.memory_space<semaphore_mem>>)
    %dma_wait3A_23 = arith.constant 0 : i32
    %dma_wait3A_24 = tpu.memref_slice %arg6[%dma_wait3A_23] : memref<8192xi32, #tpu.memory_space<hbm>> -> memref<8192xi32, #tpu.memory_space<hbm>>
    tpu.wait_indirect_dma semaphore(%arg10 : memref<!tpu.dma_semaphore, #tpu.memory_space<semaphore_mem>>) src(%arg8 : memref<64xi32, #tpu.memory_space<vmem>>) dst(%dma_wait3A_24 : memref<8192xi32, #tpu.memory_space<hbm>>)
    %add3A_25 = arith.constant 128 : i32
    %add3A_26 = arith.addi %mul3A_2, %add3A_25 : i32
    "tpu.region"() ({
      %run_scoped3A = tpu.sem_alloc : memref<!tpu.dma_semaphore, #tpu.memory_space<semaphore_mem>>
      %dma_start3A_49 = tpu.memref_slice %arg3[%add3A_26] : memref<8192xi32, #tpu.memory_space<hbm>> -> memref<64xi32, #tpu.memory_space<hbm>>
      %dma_start3A_50 = tpu.memref_slice %arg3[%add3A_26] : memref<8192xi32, #tpu.memory_space<hbm>> -> memref<64xi32, #tpu.memory_space<hbm>>
      tpu.enqueue_dma source(%dma_start3A_50 : memref<64xi32, #tpu.memory_space<hbm>>) target(%arg7 : memref<64xi32, #tpu.memory_space<vmem>>) target_semaphore(%run_scoped3A : memref<!tpu.dma_semaphore, #tpu.memory_space<semaphore_mem>>)
      %dma_wait3A_51 = tpu.memref_slice %arg3[%add3A_26] : memref<8192xi32, #tpu.memory_space<hbm>> -> memref<64xi32, #tpu.memory_space<hbm>>
      %dma_wait3A_52 = tpu.memref_slice %arg3[%add3A_26] : memref<8192xi32, #tpu.memory_space<hbm>> -> memref<64xi32, #tpu.memory_space<hbm>>
      tpu.wait_dma2 semaphore(%run_scoped3A : memref<!tpu.dma_semaphore, #tpu.memory_space<semaphore_mem>>) src(%dma_wait3A_52 : memref<64xi32, #tpu.memory_space<hbm>>) dst(%arg7 : memref<64xi32, #tpu.memory_space<vmem>>)
      tpu.yield
    }) : () -> ()
    "tpu.region"() ({
      %run_scoped3A = tpu.sem_alloc : memref<!tpu.dma_semaphore, #tpu.memory_space<semaphore_mem>>
      %dma_start3A_49 = arith.constant 0 : i32
      %dma_start3A_50 = tpu.memref_slice %arg2[%add3A_26, %dma_start3A_49] : memref<8192x1024xf32, #tpu.memory_space<hbm>> -> memref<64x1024xf32, #tpu.memory_space<hbm>>
      %dma_start3A_51 = arith.constant 0 : i32
      %dma_start3A_52 = tpu.memref_slice %arg2[%add3A_26, %dma_start3A_51] : memref<8192x1024xf32, #tpu.memory_space<hbm>> -> memref<64x1024xf32, #tpu.memory_space<hbm>>
      tpu.enqueue_dma source(%dma_start3A_52 : memref<64x1024xf32, #tpu.memory_space<hbm>>) target(%arg9 : memref<64x1024xf32, #tpu.memory_space<vmem>>) target_semaphore(%run_scoped3A : memref<!tpu.dma_semaphore, #tpu.memory_space<semaphore_mem>>)
      %dma_wait3A_53 = arith.constant 0 : i32
      %dma_wait3A_54 = tpu.memref_slice %arg2[%add3A_26, %dma_wait3A_53] : memref<8192x1024xf32, #tpu.memory_space<hbm>> -> memref<64x1024xf32, #tpu.memory_space<hbm>>
      %dma_wait3A_55 = arith.constant 0 : i32
      %dma_wait3A_56 = tpu.memref_slice %arg2[%add3A_26, %dma_wait3A_55] : memref<8192x1024xf32, #tpu.memory_space<hbm>> -> memref<64x1024xf32, #tpu.memory_space<hbm>>
      tpu.wait_dma2 semaphore(%run_scoped3A : memref<!tpu.dma_semaphore, #tpu.memory_space<semaphore_mem>>) src(%dma_wait3A_56 : memref<64x1024xf32, #tpu.memory_space<hbm>>) dst(%arg9 : memref<64x1024xf32, #tpu.memory_space<vmem>>)
      tpu.yield
    }) : () -> ()
    %dma_start3A_27 = arith.constant 0 : i32
    %dma_start3A_28 = arith.constant 0 : i32
    %dma_start3A_29 = tpu.memref_slice %arg5[%dma_start3A_27, %dma_start3A_28] : memref<8192x1024xf32, #tpu.memory_space<hbm>> -> memref<8192x1024xf32, #tpu.memory_space<hbm>>
    tpu.enqueue_indirect_dma source(%arg9 : memref<64x1024xf32, #tpu.memory_space<vmem>>) target(%dma_start3A_29 : memref<8192x1024xf32, #tpu.memory_space<hbm>>) offsets(%arg7 : memref<64xi32, #tpu.memory_space<vmem>>) semaphore(%arg10 : memref<!tpu.dma_semaphore, #tpu.memory_space<semaphore_mem>>)
    %dma_wait3A_30 = arith.constant 0 : i32
    %dma_wait3A_31 = arith.constant 0 : i32
    %dma_wait3A_32 = tpu.memref_slice %arg5[%dma_wait3A_30, %dma_wait3A_31] : memref<8192x1024xf32, #tpu.memory_space<hbm>> -> memref<8192x1024xf32, #tpu.memory_space<hbm>>
    tpu.wait_indirect_dma semaphore(%arg10 : memref<!tpu.dma_semaphore, #tpu.memory_space<semaphore_mem>>) src(%arg9 : memref<64x1024xf32, #tpu.memory_space<vmem>>) dst(%dma_wait3A_32 : memref<8192x1024xf32, #tpu.memory_space<hbm>>)
    "tpu.region"() ({
      %run_scoped3A = tpu.sem_alloc : memref<!tpu.dma_semaphore, #tpu.memory_space<semaphore_mem>>
      %dma_start3A_49 = tpu.memref_slice %arg4[%add3A_26] : memref<8192xi32, #tpu.memory_space<hbm>> -> memref<64xi32, #tpu.memory_space<hbm>>
      %dma_start3A_50 = tpu.memref_slice %arg4[%add3A_26] : memref<8192xi32, #tpu.memory_space<hbm>> -> memref<64xi32, #tpu.memory_space<hbm>>
      tpu.enqueue_dma source(%dma_start3A_50 : memref<64xi32, #tpu.memory_space<hbm>>) target(%arg8 : memref<64xi32, #tpu.memory_space<vmem>>) target_semaphore(%run_scoped3A : memref<!tpu.dma_semaphore, #tpu.memory_space<semaphore_mem>>)
      %dma_wait3A_51 = tpu.memref_slice %arg4[%add3A_26] : memref<8192xi32, #tpu.memory_space<hbm>> -> memref<64xi32, #tpu.memory_space<hbm>>
      %dma_wait3A_52 = tpu.memref_slice %arg4[%add3A_26] : memref<8192xi32, #tpu.memory_space<hbm>> -> memref<64xi32, #tpu.memory_space<hbm>>
      tpu.wait_dma2 semaphore(%run_scoped3A : memref<!tpu.dma_semaphore, #tpu.memory_space<semaphore_mem>>) src(%dma_wait3A_52 : memref<64xi32, #tpu.memory_space<hbm>>) dst(%arg8 : memref<64xi32, #tpu.memory_space<vmem>>)
      tpu.yield
    }) : () -> ()
    %dma_start3A_33 = arith.constant 0 : i32
    %dma_start3A_34 = tpu.memref_slice %arg6[%dma_start3A_33] : memref<8192xi32, #tpu.memory_space<hbm>> -> memref<8192xi32, #tpu.memory_space<hbm>>
    tpu.enqueue_indirect_dma source(%arg8 : memref<64xi32, #tpu.memory_space<vmem>>) target(%dma_start3A_34 : memref<8192xi32, #tpu.memory_space<hbm>>) offsets(%arg7 : memref<64xi32, #tpu.memory_space<vmem>>) semaphore(%arg10 : memref<!tpu.dma_semaphore, #tpu.memory_space<semaphore_mem>>)
    %dma_wait3A_35 = arith.constant 0 : i32
    %dma_wait3A_36 = tpu.memref_slice %arg6[%dma_wait3A_35] : memref<8192xi32, #tpu.memory_space<hbm>> -> memref<8192xi32, #tpu.memory_space<hbm>>
    tpu.wait_indirect_dma semaphore(%arg10 : memref<!tpu.dma_semaphore, #tpu.memory_space<semaphore_mem>>) src(%arg8 : memref<64xi32, #tpu.memory_space<vmem>>) dst(%dma_wait3A_36 : memref<8192xi32, #tpu.memory_space<hbm>>)
    %add3A_37 = arith.constant 192 : i32
    %add3A_38 = arith.addi %mul3A_2, %add3A_37 : i32
    "tpu.region"() ({
      %run_scoped3A = tpu.sem_alloc : memref<!tpu.dma_semaphore, #tpu.memory_space<semaphore_mem>>
      %dma_start3A_49 = tpu.memref_slice %arg3[%add3A_38] : memref<8192xi32, #tpu.memory_space<hbm>> -> memref<64xi32, #tpu.memory_space<hbm>>
      %dma_start3A_50 = tpu.memref_slice %arg3[%add3A_38] : memref<8192xi32, #tpu.memory_space<hbm>> -> memref<64xi32, #tpu.memory_space<hbm>>
      tpu.enqueue_dma source(%dma_start3A_50 : memref<64xi32, #tpu.memory_space<hbm>>) target(%arg7 : memref<64xi32, #tpu.memory_space<vmem>>) target_semaphore(%run_scoped3A : memref<!tpu.dma_semaphore, #tpu.memory_space<semaphore_mem>>)
      %dma_wait3A_51 = tpu.memref_slice %arg3[%add3A_38] : memref<8192xi32, #tpu.memory_space<hbm>> -> memref<64xi32, #tpu.memory_space<hbm>>
      %dma_wait3A_52 = tpu.memref_slice %arg3[%add3A_38] : memref<8192xi32, #tpu.memory_space<hbm>> -> memref<64xi32, #tpu.memory_space<hbm>>
      tpu.wait_dma2 semaphore(%run_scoped3A : memref<!tpu.dma_semaphore, #tpu.memory_space<semaphore_mem>>) src(%dma_wait3A_52 : memref<64xi32, #tpu.memory_space<hbm>>) dst(%arg7 : memref<64xi32, #tpu.memory_space<vmem>>)
      tpu.yield
    }) : () -> ()
    "tpu.region"() ({
      %run_scoped3A = tpu.sem_alloc : memref<!tpu.dma_semaphore, #tpu.memory_space<semaphore_mem>>
      %dma_start3A_49 = arith.constant 0 : i32
      %dma_start3A_50 = tpu.memref_slice %arg2[%add3A_38, %dma_start3A_49] : memref<8192x1024xf32, #tpu.memory_space<hbm>> -> memref<64x1024xf32, #tpu.memory_space<hbm>>
      %dma_start3A_51 = arith.constant 0 : i32
      %dma_start3A_52 = tpu.memref_slice %arg2[%add3A_38, %dma_start3A_51] : memref<8192x1024xf32, #tpu.memory_space<hbm>> -> memref<64x1024xf32, #tpu.memory_space<hbm>>
      tpu.enqueue_dma source(%dma_start3A_52 : memref<64x1024xf32, #tpu.memory_space<hbm>>) target(%arg9 : memref<64x1024xf32, #tpu.memory_space<vmem>>) target_semaphore(%run_scoped3A : memref<!tpu.dma_semaphore, #tpu.memory_space<semaphore_mem>>)
      %dma_wait3A_53 = arith.constant 0 : i32
      %dma_wait3A_54 = tpu.memref_slice %arg2[%add3A_38, %dma_wait3A_53] : memref<8192x1024xf32, #tpu.memory_space<hbm>> -> memref<64x1024xf32, #tpu.memory_space<hbm>>
      %dma_wait3A_55 = arith.constant 0 : i32
      %dma_wait3A_56 = tpu.memref_slice %arg2[%add3A_38, %dma_wait3A_55] : memref<8192x1024xf32, #tpu.memory_space<hbm>> -> memref<64x1024xf32, #tpu.memory_space<hbm>>
      tpu.wait_dma2 semaphore(%run_scoped3A : memref<!tpu.dma_semaphore, #tpu.memory_space<semaphore_mem>>) src(%dma_wait3A_56 : memref<64x1024xf32, #tpu.memory_space<hbm>>) dst(%arg9 : memref<64x1024xf32, #tpu.memory_space<vmem>>)
      tpu.yield
    }) : () -> ()
    %dma_start3A_39 = arith.constant 0 : i32
    %dma_start3A_40 = arith.constant 0 : i32
    %dma_start3A_41 = tpu.memref_slice %arg5[%dma_start3A_39, %dma_start3A_40] : memref<8192x1024xf32, #tpu.memory_space<hbm>> -> memref<8192x1024xf32, #tpu.memory_space<hbm>>
    tpu.enqueue_indirect_dma source(%arg9 : memref<64x1024xf32, #tpu.memory_space<vmem>>) target(%dma_start3A_41 : memref<8192x1024xf32, #tpu.memory_space<hbm>>) offsets(%arg7 : memref<64xi32, #tpu.memory_space<vmem>>) semaphore(%arg10 : memref<!tpu.dma_semaphore, #tpu.memory_space<semaphore_mem>>)
    %dma_wait3A_42 = arith.constant 0 : i32
    %dma_wait3A_43 = arith.constant 0 : i32
    %dma_wait3A_44 = tpu.memref_slice %arg5[%dma_wait3A_42, %dma_wait3A_43] : memref<8192x1024xf32, #tpu.memory_space<hbm>> -> memref<8192x1024xf32, #tpu.memory_space<hbm>>
    tpu.wait_indirect_dma semaphore(%arg10 : memref<!tpu.dma_semaphore, #tpu.memory_space<semaphore_mem>>) src(%arg9 : memref<64x1024xf32, #tpu.memory_space<vmem>>) dst(%dma_wait3A_44 : memref<8192x1024xf32, #tpu.memory_space<hbm>>)
    "tpu.region"() ({
      %run_scoped3A = tpu.sem_alloc : memref<!tpu.dma_semaphore, #tpu.memory_space<semaphore_mem>>
      %dma_start3A_49 = tpu.memref_slice %arg4[%add3A_38] : memref<8192xi32, #tpu.memory_space<hbm>> -> memref<64xi32, #tpu.memory_space<hbm>>
      %dma_start3A_50 = tpu.memref_slice %arg4[%add3A_38] : memref<8192xi32, #tpu.memory_space<hbm>> -> memref<64xi32, #tpu.memory_space<hbm>>
      tpu.enqueue_dma source(%dma_start3A_50 : memref<64xi32, #tpu.memory_space<hbm>>) target(%arg8 : memref<64xi32, #tpu.memory_space<vmem>>) target_semaphore(%run_scoped3A : memref<!tpu.dma_semaphore, #tpu.memory_space<semaphore_mem>>)
      %dma_wait3A_51 = tpu.memref_slice %arg4[%add3A_38] : memref<8192xi32, #tpu.memory_space<hbm>> -> memref<64xi32, #tpu.memory_space<hbm>>
      %dma_wait3A_52 = tpu.memref_slice %arg4[%add3A_38] : memref<8192xi32, #tpu.memory_space<hbm>> -> memref<64xi32, #tpu.memory_space<hbm>>
      tpu.wait_dma2 semaphore(%run_scoped3A : memref<!tpu.dma_semaphore, #tpu.memory_space<semaphore_mem>>) src(%dma_wait3A_52 : memref<64xi32, #tpu.memory_space<hbm>>) dst(%arg8 : memref<64xi32, #tpu.memory_space<vmem>>)
      tpu.yield
    }) : () -> ()
    %dma_start3A_45 = arith.constant 0 : i32
    %dma_start3A_46 = tpu.memref_slice %arg6[%dma_start3A_45] : memref<8192xi32, #tpu.memory_space<hbm>> -> memref<8192xi32, #tpu.memory_space<hbm>>
    tpu.enqueue_indirect_dma source(%arg8 : memref<64xi32, #tpu.memory_space<vmem>>) target(%dma_start3A_46 : memref<8192xi32, #tpu.memory_space<hbm>>) offsets(%arg7 : memref<64xi32, #tpu.memory_space<vmem>>) semaphore(%arg10 : memref<!tpu.dma_semaphore, #tpu.memory_space<semaphore_mem>>)
    %dma_wait3A_47 = arith.constant 0 : i32
    %dma_wait3A_48 = tpu.memref_slice %arg6[%dma_wait3A_47] : memref<8192xi32, #tpu.memory_space<hbm>> -> memref<8192xi32, #tpu.memory_space<hbm>>
    tpu.wait_indirect_dma semaphore(%arg10 : memref<!tpu.dma_semaphore, #tpu.memory_space<semaphore_mem>>) src(%arg8 : memref<64xi32, #tpu.memory_space<vmem>>) dst(%dma_wait3A_48 : memref<8192xi32, #tpu.memory_space<hbm>>)
    return
  }
}

module attributes {stable_mosaic.version = 14 : i64} {
  func.func @_rank_kernel(%arg0: memref<2x4096xf32, #tpu.memory_space<vmem>>, %arg1: memref<4096x2xf32, #tpu.memory_space<vmem>>, %arg2: memref<512x128xf32, #tpu.memory_space<vmem>>, %arg3: memref<4096x2xi32, #tpu.memory_space<vmem>>) attributes {dimension_semantics = [], scalar_prefetch = 0 : i64, scratch_operands = 0 : i64, tpu.core_type = #tpu.core_type<tc>} {
    %get3A = arith.constant 0 : index
    %get3A_0 = arith.constant 0 : index
    %get3A_1 = vector.load %arg1[%get3A, %get3A_0] : memref<4096x2xf32, #tpu.memory_space<vmem>>, vector<4096x1xf32>
    %broadcast_in_dim3A = arith.constant 0.000000e+00 : f32
    %broadcast_in_dim3A_2 = vector.broadcast %broadcast_in_dim3A : f32 to vector<4096x128xf32>
    %get3A_3 = arith.constant 0 : index
    %get3A_4 = arith.constant 0 : index
    %get3A_5 = vector.load %arg0[%get3A_3, %get3A_4] : memref<2x4096xf32, #tpu.memory_space<vmem>>, vector<1x512xf32>
    %iota3A = tpu.iota {dimensions = array<i32: 1>} : vector<4096x512xi32>
    %add3A = arith.constant 0 : i32
    %add3A_6 = vector.broadcast %add3A : i32 to vector<4096x512xi32>
    %add3A_7 = arith.addi %iota3A, %add3A_6 : vector<4096x512xi32>
    %iota3A_8 = tpu.iota {dimensions = array<i32: 0>} : vector<4096x512xi32>
    %gt3A = vector.broadcast %get3A_5 : vector<1x512xf32> to vector<4096x512xf32>
    %gt3A_9 = vector.broadcast %get3A_1 : vector<4096x1xf32> to vector<4096x512xf32>
    %gt3A_10 = arith.cmpf ogt, %gt3A, %gt3A_9 : vector<4096x512xf32>
    %eq3A = vector.broadcast %get3A_5 : vector<1x512xf32> to vector<4096x512xf32>
    %eq3A_11 = vector.broadcast %get3A_1 : vector<4096x1xf32> to vector<4096x512xf32>
    %eq3A_12 = arith.cmpf oeq, %eq3A, %eq3A_11 : vector<4096x512xf32>
    %lt3A = arith.cmpi slt, %add3A_7, %iota3A_8 : vector<4096x512xi32>
    %and3A = arith.andi %eq3A_12, %lt3A : vector<4096x512xi1>
    %or3A = arith.ori %gt3A_10, %and3A : vector<4096x512xi1>
    %convert_element_type3A = arith.extui %or3A : vector<4096x512xi1> to vector<4096x512xi32>
    %convert_element_type3A_13 = arith.sitofp %convert_element_type3A : vector<4096x512xi32> to vector<4096x512xf32>
    %get3A_14 = arith.constant 0 : index
    %get3A_15 = arith.constant 0 : index
    %get3A_16 = vector.load %arg2[%get3A_14, %get3A_15] : memref<512x128xf32, #tpu.memory_space<vmem>>, vector<512x128xf32>
    %dot_general3A = arith.constant dense<0.000000e+00> : vector<4096x128xf32>
    %dot_general3A_17 = tpu.matmul %convert_element_type3A_13, %get3A_16, %dot_general3A {dimension_numbers = #tpu.dot_dimension_numbers<[1], [0], [0], [1], [0, 0, 1, 1], [], []>, transpose_lhs_hint = false} : vector<4096x512xf32>, vector<512x128xf32>, vector<4096x128xf32> -> vector<4096x128xf32>
    %add3A_18 = arith.addf %broadcast_in_dim3A_2, %dot_general3A_17 : vector<4096x128xf32>
    %get3A_19 = arith.constant 0 : index
    %get3A_20 = arith.constant 512 : index
    %get3A_21 = vector.load %arg0[%get3A_19, %get3A_20] : memref<2x4096xf32, #tpu.memory_space<vmem>>, vector<1x512xf32>
    %iota3A_22 = tpu.iota {dimensions = array<i32: 1>} : vector<4096x512xi32>
    %add3A_23 = arith.constant 512 : i32
    %add3A_24 = vector.broadcast %add3A_23 : i32 to vector<4096x512xi32>
    %add3A_25 = arith.addi %iota3A_22, %add3A_24 : vector<4096x512xi32>
    %iota3A_26 = tpu.iota {dimensions = array<i32: 0>} : vector<4096x512xi32>
    %gt3A_27 = vector.broadcast %get3A_21 : vector<1x512xf32> to vector<4096x512xf32>
    %gt3A_28 = vector.broadcast %get3A_1 : vector<4096x1xf32> to vector<4096x512xf32>
    %gt3A_29 = arith.cmpf ogt, %gt3A_27, %gt3A_28 : vector<4096x512xf32>
    %eq3A_30 = vector.broadcast %get3A_21 : vector<1x512xf32> to vector<4096x512xf32>
    %eq3A_31 = vector.broadcast %get3A_1 : vector<4096x1xf32> to vector<4096x512xf32>
    %eq3A_32 = arith.cmpf oeq, %eq3A_30, %eq3A_31 : vector<4096x512xf32>
    %lt3A_33 = arith.cmpi slt, %add3A_25, %iota3A_26 : vector<4096x512xi32>
    %and3A_34 = arith.andi %eq3A_32, %lt3A_33 : vector<4096x512xi1>
    %or3A_35 = arith.ori %gt3A_29, %and3A_34 : vector<4096x512xi1>
    %convert_element_type3A_36 = arith.extui %or3A_35 : vector<4096x512xi1> to vector<4096x512xi32>
    %convert_element_type3A_37 = arith.sitofp %convert_element_type3A_36 : vector<4096x512xi32> to vector<4096x512xf32>
    %get3A_38 = arith.constant 0 : index
    %get3A_39 = arith.constant 0 : index
    %get3A_40 = vector.load %arg2[%get3A_38, %get3A_39] : memref<512x128xf32, #tpu.memory_space<vmem>>, vector<512x128xf32>
    %dot_general3A_41 = arith.constant dense<0.000000e+00> : vector<4096x128xf32>
    %dot_general3A_42 = tpu.matmul %convert_element_type3A_37, %get3A_40, %dot_general3A_41 {dimension_numbers = #tpu.dot_dimension_numbers<[1], [0], [0], [1], [0, 0, 1, 1], [], []>, transpose_lhs_hint = false} : vector<4096x512xf32>, vector<512x128xf32>, vector<4096x128xf32> -> vector<4096x128xf32>
    %add3A_43 = arith.addf %add3A_18, %dot_general3A_42 : vector<4096x128xf32>
    %get3A_44 = arith.constant 0 : index
    %get3A_45 = arith.constant 1024 : index
    %get3A_46 = vector.load %arg0[%get3A_44, %get3A_45] : memref<2x4096xf32, #tpu.memory_space<vmem>>, vector<1x512xf32>
    %iota3A_47 = tpu.iota {dimensions = array<i32: 1>} : vector<4096x512xi32>
    %add3A_48 = arith.constant 1024 : i32
    %add3A_49 = vector.broadcast %add3A_48 : i32 to vector<4096x512xi32>
    %add3A_50 = arith.addi %iota3A_47, %add3A_49 : vector<4096x512xi32>
    %iota3A_51 = tpu.iota {dimensions = array<i32: 0>} : vector<4096x512xi32>
    %gt3A_52 = vector.broadcast %get3A_46 : vector<1x512xf32> to vector<4096x512xf32>
    %gt3A_53 = vector.broadcast %get3A_1 : vector<4096x1xf32> to vector<4096x512xf32>
    %gt3A_54 = arith.cmpf ogt, %gt3A_52, %gt3A_53 : vector<4096x512xf32>
    %eq3A_55 = vector.broadcast %get3A_46 : vector<1x512xf32> to vector<4096x512xf32>
    %eq3A_56 = vector.broadcast %get3A_1 : vector<4096x1xf32> to vector<4096x512xf32>
    %eq3A_57 = arith.cmpf oeq, %eq3A_55, %eq3A_56 : vector<4096x512xf32>
    %lt3A_58 = arith.cmpi slt, %add3A_50, %iota3A_51 : vector<4096x512xi32>
    %and3A_59 = arith.andi %eq3A_57, %lt3A_58 : vector<4096x512xi1>
    %or3A_60 = arith.ori %gt3A_54, %and3A_59 : vector<4096x512xi1>
    %convert_element_type3A_61 = arith.extui %or3A_60 : vector<4096x512xi1> to vector<4096x512xi32>
    %convert_element_type3A_62 = arith.sitofp %convert_element_type3A_61 : vector<4096x512xi32> to vector<4096x512xf32>
    %get3A_63 = arith.constant 0 : index
    %get3A_64 = arith.constant 0 : index
    %get3A_65 = vector.load %arg2[%get3A_63, %get3A_64] : memref<512x128xf32, #tpu.memory_space<vmem>>, vector<512x128xf32>
    %dot_general3A_66 = arith.constant dense<0.000000e+00> : vector<4096x128xf32>
    %dot_general3A_67 = tpu.matmul %convert_element_type3A_62, %get3A_65, %dot_general3A_66 {dimension_numbers = #tpu.dot_dimension_numbers<[1], [0], [0], [1], [0, 0, 1, 1], [], []>, transpose_lhs_hint = false} : vector<4096x512xf32>, vector<512x128xf32>, vector<4096x128xf32> -> vector<4096x128xf32>
    %add3A_68 = arith.addf %add3A_43, %dot_general3A_67 : vector<4096x128xf32>
    %get3A_69 = arith.constant 0 : index
    %get3A_70 = arith.constant 1536 : index
    %get3A_71 = vector.load %arg0[%get3A_69, %get3A_70] : memref<2x4096xf32, #tpu.memory_space<vmem>>, vector<1x512xf32>
    %iota3A_72 = tpu.iota {dimensions = array<i32: 1>} : vector<4096x512xi32>
    %add3A_73 = arith.constant 1536 : i32
    %add3A_74 = vector.broadcast %add3A_73 : i32 to vector<4096x512xi32>
    %add3A_75 = arith.addi %iota3A_72, %add3A_74 : vector<4096x512xi32>
    %iota3A_76 = tpu.iota {dimensions = array<i32: 0>} : vector<4096x512xi32>
    %gt3A_77 = vector.broadcast %get3A_71 : vector<1x512xf32> to vector<4096x512xf32>
    %gt3A_78 = vector.broadcast %get3A_1 : vector<4096x1xf32> to vector<4096x512xf32>
    %gt3A_79 = arith.cmpf ogt, %gt3A_77, %gt3A_78 : vector<4096x512xf32>
    %eq3A_80 = vector.broadcast %get3A_71 : vector<1x512xf32> to vector<4096x512xf32>
    %eq3A_81 = vector.broadcast %get3A_1 : vector<4096x1xf32> to vector<4096x512xf32>
    %eq3A_82 = arith.cmpf oeq, %eq3A_80, %eq3A_81 : vector<4096x512xf32>
    %lt3A_83 = arith.cmpi slt, %add3A_75, %iota3A_76 : vector<4096x512xi32>
    %and3A_84 = arith.andi %eq3A_82, %lt3A_83 : vector<4096x512xi1>
    %or3A_85 = arith.ori %gt3A_79, %and3A_84 : vector<4096x512xi1>
    %convert_element_type3A_86 = arith.extui %or3A_85 : vector<4096x512xi1> to vector<4096x512xi32>
    %convert_element_type3A_87 = arith.sitofp %convert_element_type3A_86 : vector<4096x512xi32> to vector<4096x512xf32>
    %get3A_88 = arith.constant 0 : index
    %get3A_89 = arith.constant 0 : index
    %get3A_90 = vector.load %arg2[%get3A_88, %get3A_89] : memref<512x128xf32, #tpu.memory_space<vmem>>, vector<512x128xf32>
    %dot_general3A_91 = arith.constant dense<0.000000e+00> : vector<4096x128xf32>
    %dot_general3A_92 = tpu.matmul %convert_element_type3A_87, %get3A_90, %dot_general3A_91 {dimension_numbers = #tpu.dot_dimension_numbers<[1], [0], [0], [1], [0, 0, 1, 1], [], []>, transpose_lhs_hint = false} : vector<4096x512xf32>, vector<512x128xf32>, vector<4096x128xf32> -> vector<4096x128xf32>
    %add3A_93 = arith.addf %add3A_68, %dot_general3A_92 : vector<4096x128xf32>
    %get3A_94 = arith.constant 0 : index
    %get3A_95 = arith.constant 2048 : index
    %get3A_96 = vector.load %arg0[%get3A_94, %get3A_95] : memref<2x4096xf32, #tpu.memory_space<vmem>>, vector<1x512xf32>
    %iota3A_97 = tpu.iota {dimensions = array<i32: 1>} : vector<4096x512xi32>
    %add3A_98 = arith.constant 2048 : i32
    %add3A_99 = vector.broadcast %add3A_98 : i32 to vector<4096x512xi32>
    %add3A_100 = arith.addi %iota3A_97, %add3A_99 : vector<4096x512xi32>
    %iota3A_101 = tpu.iota {dimensions = array<i32: 0>} : vector<4096x512xi32>
    %gt3A_102 = vector.broadcast %get3A_96 : vector<1x512xf32> to vector<4096x512xf32>
    %gt3A_103 = vector.broadcast %get3A_1 : vector<4096x1xf32> to vector<4096x512xf32>
    %gt3A_104 = arith.cmpf ogt, %gt3A_102, %gt3A_103 : vector<4096x512xf32>
    %eq3A_105 = vector.broadcast %get3A_96 : vector<1x512xf32> to vector<4096x512xf32>
    %eq3A_106 = vector.broadcast %get3A_1 : vector<4096x1xf32> to vector<4096x512xf32>
    %eq3A_107 = arith.cmpf oeq, %eq3A_105, %eq3A_106 : vector<4096x512xf32>
    %lt3A_108 = arith.cmpi slt, %add3A_100, %iota3A_101 : vector<4096x512xi32>
    %and3A_109 = arith.andi %eq3A_107, %lt3A_108 : vector<4096x512xi1>
    %or3A_110 = arith.ori %gt3A_104, %and3A_109 : vector<4096x512xi1>
    %convert_element_type3A_111 = arith.extui %or3A_110 : vector<4096x512xi1> to vector<4096x512xi32>
    %convert_element_type3A_112 = arith.sitofp %convert_element_type3A_111 : vector<4096x512xi32> to vector<4096x512xf32>
    %get3A_113 = arith.constant 0 : index
    %get3A_114 = arith.constant 0 : index
    %get3A_115 = vector.load %arg2[%get3A_113, %get3A_114] : memref<512x128xf32, #tpu.memory_space<vmem>>, vector<512x128xf32>
    %dot_general3A_116 = arith.constant dense<0.000000e+00> : vector<4096x128xf32>
    %dot_general3A_117 = tpu.matmul %convert_element_type3A_112, %get3A_115, %dot_general3A_116 {dimension_numbers = #tpu.dot_dimension_numbers<[1], [0], [0], [1], [0, 0, 1, 1], [], []>, transpose_lhs_hint = false} : vector<4096x512xf32>, vector<512x128xf32>, vector<4096x128xf32> -> vector<4096x128xf32>
    %add3A_118 = arith.addf %add3A_93, %dot_general3A_117 : vector<4096x128xf32>
    %get3A_119 = arith.constant 0 : index
    %get3A_120 = arith.constant 2560 : index
    %get3A_121 = vector.load %arg0[%get3A_119, %get3A_120] : memref<2x4096xf32, #tpu.memory_space<vmem>>, vector<1x512xf32>
    %iota3A_122 = tpu.iota {dimensions = array<i32: 1>} : vector<4096x512xi32>
    %add3A_123 = arith.constant 2560 : i32
    %add3A_124 = vector.broadcast %add3A_123 : i32 to vector<4096x512xi32>
    %add3A_125 = arith.addi %iota3A_122, %add3A_124 : vector<4096x512xi32>
    %iota3A_126 = tpu.iota {dimensions = array<i32: 0>} : vector<4096x512xi32>
    %gt3A_127 = vector.broadcast %get3A_121 : vector<1x512xf32> to vector<4096x512xf32>
    %gt3A_128 = vector.broadcast %get3A_1 : vector<4096x1xf32> to vector<4096x512xf32>
    %gt3A_129 = arith.cmpf ogt, %gt3A_127, %gt3A_128 : vector<4096x512xf32>
    %eq3A_130 = vector.broadcast %get3A_121 : vector<1x512xf32> to vector<4096x512xf32>
    %eq3A_131 = vector.broadcast %get3A_1 : vector<4096x1xf32> to vector<4096x512xf32>
    %eq3A_132 = arith.cmpf oeq, %eq3A_130, %eq3A_131 : vector<4096x512xf32>
    %lt3A_133 = arith.cmpi slt, %add3A_125, %iota3A_126 : vector<4096x512xi32>
    %and3A_134 = arith.andi %eq3A_132, %lt3A_133 : vector<4096x512xi1>
    %or3A_135 = arith.ori %gt3A_129, %and3A_134 : vector<4096x512xi1>
    %convert_element_type3A_136 = arith.extui %or3A_135 : vector<4096x512xi1> to vector<4096x512xi32>
    %convert_element_type3A_137 = arith.sitofp %convert_element_type3A_136 : vector<4096x512xi32> to vector<4096x512xf32>
    %get3A_138 = arith.constant 0 : index
    %get3A_139 = arith.constant 0 : index
    %get3A_140 = vector.load %arg2[%get3A_138, %get3A_139] : memref<512x128xf32, #tpu.memory_space<vmem>>, vector<512x128xf32>
    %dot_general3A_141 = arith.constant dense<0.000000e+00> : vector<4096x128xf32>
    %dot_general3A_142 = tpu.matmul %convert_element_type3A_137, %get3A_140, %dot_general3A_141 {dimension_numbers = #tpu.dot_dimension_numbers<[1], [0], [0], [1], [0, 0, 1, 1], [], []>, transpose_lhs_hint = false} : vector<4096x512xf32>, vector<512x128xf32>, vector<4096x128xf32> -> vector<4096x128xf32>
    %add3A_143 = arith.addf %add3A_118, %dot_general3A_142 : vector<4096x128xf32>
    %get3A_144 = arith.constant 0 : index
    %get3A_145 = arith.constant 3072 : index
    %get3A_146 = vector.load %arg0[%get3A_144, %get3A_145] : memref<2x4096xf32, #tpu.memory_space<vmem>>, vector<1x512xf32>
    %iota3A_147 = tpu.iota {dimensions = array<i32: 1>} : vector<4096x512xi32>
    %add3A_148 = arith.constant 3072 : i32
    %add3A_149 = vector.broadcast %add3A_148 : i32 to vector<4096x512xi32>
    %add3A_150 = arith.addi %iota3A_147, %add3A_149 : vector<4096x512xi32>
    %iota3A_151 = tpu.iota {dimensions = array<i32: 0>} : vector<4096x512xi32>
    %gt3A_152 = vector.broadcast %get3A_146 : vector<1x512xf32> to vector<4096x512xf32>
    %gt3A_153 = vector.broadcast %get3A_1 : vector<4096x1xf32> to vector<4096x512xf32>
    %gt3A_154 = arith.cmpf ogt, %gt3A_152, %gt3A_153 : vector<4096x512xf32>
    %eq3A_155 = vector.broadcast %get3A_146 : vector<1x512xf32> to vector<4096x512xf32>
    %eq3A_156 = vector.broadcast %get3A_1 : vector<4096x1xf32> to vector<4096x512xf32>
    %eq3A_157 = arith.cmpf oeq, %eq3A_155, %eq3A_156 : vector<4096x512xf32>
    %lt3A_158 = arith.cmpi slt, %add3A_150, %iota3A_151 : vector<4096x512xi32>
    %and3A_159 = arith.andi %eq3A_157, %lt3A_158 : vector<4096x512xi1>
    %or3A_160 = arith.ori %gt3A_154, %and3A_159 : vector<4096x512xi1>
    %convert_element_type3A_161 = arith.extui %or3A_160 : vector<4096x512xi1> to vector<4096x512xi32>
    %convert_element_type3A_162 = arith.sitofp %convert_element_type3A_161 : vector<4096x512xi32> to vector<4096x512xf32>
    %get3A_163 = arith.constant 0 : index
    %get3A_164 = arith.constant 0 : index
    %get3A_165 = vector.load %arg2[%get3A_163, %get3A_164] : memref<512x128xf32, #tpu.memory_space<vmem>>, vector<512x128xf32>
    %dot_general3A_166 = arith.constant dense<0.000000e+00> : vector<4096x128xf32>
    %dot_general3A_167 = tpu.matmul %convert_element_type3A_162, %get3A_165, %dot_general3A_166 {dimension_numbers = #tpu.dot_dimension_numbers<[1], [0], [0], [1], [0, 0, 1, 1], [], []>, transpose_lhs_hint = false} : vector<4096x512xf32>, vector<512x128xf32>, vector<4096x128xf32> -> vector<4096x128xf32>
    %add3A_168 = arith.addf %add3A_143, %dot_general3A_167 : vector<4096x128xf32>
    %get3A_169 = arith.constant 0 : index
    %get3A_170 = arith.constant 3584 : index
    %get3A_171 = vector.load %arg0[%get3A_169, %get3A_170] : memref<2x4096xf32, #tpu.memory_space<vmem>>, vector<1x512xf32>
    %iota3A_172 = tpu.iota {dimensions = array<i32: 1>} : vector<4096x512xi32>
    %add3A_173 = arith.constant 3584 : i32
    %add3A_174 = vector.broadcast %add3A_173 : i32 to vector<4096x512xi32>
    %add3A_175 = arith.addi %iota3A_172, %add3A_174 : vector<4096x512xi32>
    %iota3A_176 = tpu.iota {dimensions = array<i32: 0>} : vector<4096x512xi32>
    %gt3A_177 = vector.broadcast %get3A_171 : vector<1x512xf32> to vector<4096x512xf32>
    %gt3A_178 = vector.broadcast %get3A_1 : vector<4096x1xf32> to vector<4096x512xf32>
    %gt3A_179 = arith.cmpf ogt, %gt3A_177, %gt3A_178 : vector<4096x512xf32>
    %eq3A_180 = vector.broadcast %get3A_171 : vector<1x512xf32> to vector<4096x512xf32>
    %eq3A_181 = vector.broadcast %get3A_1 : vector<4096x1xf32> to vector<4096x512xf32>
    %eq3A_182 = arith.cmpf oeq, %eq3A_180, %eq3A_181 : vector<4096x512xf32>
    %lt3A_183 = arith.cmpi slt, %add3A_175, %iota3A_176 : vector<4096x512xi32>
    %and3A_184 = arith.andi %eq3A_182, %lt3A_183 : vector<4096x512xi1>
    %or3A_185 = arith.ori %gt3A_179, %and3A_184 : vector<4096x512xi1>
    %convert_element_type3A_186 = arith.extui %or3A_185 : vector<4096x512xi1> to vector<4096x512xi32>
    %convert_element_type3A_187 = arith.sitofp %convert_element_type3A_186 : vector<4096x512xi32> to vector<4096x512xf32>
    %get3A_188 = arith.constant 0 : index
    %get3A_189 = arith.constant 0 : index
    %get3A_190 = vector.load %arg2[%get3A_188, %get3A_189] : memref<512x128xf32, #tpu.memory_space<vmem>>, vector<512x128xf32>
    %dot_general3A_191 = arith.constant dense<0.000000e+00> : vector<4096x128xf32>
    %dot_general3A_192 = tpu.matmul %convert_element_type3A_187, %get3A_190, %dot_general3A_191 {dimension_numbers = #tpu.dot_dimension_numbers<[1], [0], [0], [1], [0, 0, 1, 1], [], []>, transpose_lhs_hint = false} : vector<4096x512xf32>, vector<512x128xf32>, vector<4096x128xf32> -> vector<4096x128xf32>
    %add3A_193 = arith.addf %add3A_168, %dot_general3A_192 : vector<4096x128xf32>
    %slice3A = vector.extract_strided_slice %add3A_193 {offsets = [0, 0], sizes = [4096, 1], strides = [1, 1]} : vector<4096x128xf32> to vector<4096x1xf32>
    %convert_element_type3A_194 = arith.fptosi %slice3A : vector<4096x1xf32> to vector<4096x1xi32>
    %add3A_195 = arith.constant 0 : i32
    %add3A_196 = vector.broadcast %add3A_195 : i32 to vector<4096x1xi32>
    %add3A_197 = arith.addi %convert_element_type3A_194, %add3A_196 : vector<4096x1xi32>
    %swap3A = arith.constant 0 : index
    %swap3A_198 = arith.constant 0 : index
    %swap3A_199 = vector.load %arg3[%swap3A, %swap3A_198] : memref<4096x2xi32, #tpu.memory_space<vmem>>, vector<4096x1xi32>
    tpu.vector_store %arg3[%swap3A, %swap3A_198], %add3A_197 {strides = array<i32>} : memref<4096x2xi32, #tpu.memory_space<vmem>>, vector<4096x1xi32>,
    %get3A_200 = arith.constant 0 : index
    %get3A_201 = arith.constant 1 : index
    %get3A_202 = vector.load %arg1[%get3A_200, %get3A_201] : memref<4096x2xf32, #tpu.memory_space<vmem>>, vector<4096x1xf32>
    %broadcast_in_dim3A_203 = arith.constant 0.000000e+00 : f32
    %broadcast_in_dim3A_204 = vector.broadcast %broadcast_in_dim3A_203 : f32 to vector<4096x128xf32>
    %get3A_205 = arith.constant 1 : index
    %get3A_206 = arith.constant 0 : index
    %get3A_207 = vector.load %arg0[%get3A_205, %get3A_206] : memref<2x4096xf32, #tpu.memory_space<vmem>>, vector<1x512xf32>
    %iota3A_208 = tpu.iota {dimensions = array<i32: 1>} : vector<4096x512xi32>
    %add3A_209 = arith.constant 0 : i32
    %add3A_210 = vector.broadcast %add3A_209 : i32 to vector<4096x512xi32>
    %add3A_211 = arith.addi %iota3A_208, %add3A_210 : vector<4096x512xi32>
    %iota3A_212 = tpu.iota {dimensions = array<i32: 0>} : vector<4096x512xi32>
    %gt3A_213 = vector.broadcast %get3A_207 : vector<1x512xf32> to vector<4096x512xf32>
    %gt3A_214 = vector.broadcast %get3A_202 : vector<4096x1xf32> to vector<4096x512xf32>
    %gt3A_215 = arith.cmpf ogt, %gt3A_213, %gt3A_214 : vector<4096x512xf32>
    %eq3A_216 = vector.broadcast %get3A_207 : vector<1x512xf32> to vector<4096x512xf32>
    %eq3A_217 = vector.broadcast %get3A_202 : vector<4096x1xf32> to vector<4096x512xf32>
    %eq3A_218 = arith.cmpf oeq, %eq3A_216, %eq3A_217 : vector<4096x512xf32>
    %lt3A_219 = arith.cmpi slt, %add3A_211, %iota3A_212 : vector<4096x512xi32>
    %and3A_220 = arith.andi %eq3A_218, %lt3A_219 : vector<4096x512xi1>
    %or3A_221 = arith.ori %gt3A_215, %and3A_220 : vector<4096x512xi1>
    %convert_element_type3A_222 = arith.extui %or3A_221 : vector<4096x512xi1> to vector<4096x512xi32>
    %convert_element_type3A_223 = arith.sitofp %convert_element_type3A_222 : vector<4096x512xi32> to vector<4096x512xf32>
    %get3A_224 = arith.constant 0 : index
    %get3A_225 = arith.constant 0 : index
    %get3A_226 = vector.load %arg2[%get3A_224, %get3A_225] : memref<512x128xf32, #tpu.memory_space<vmem>>, vector<512x128xf32>
    %dot_general3A_227 = arith.constant dense<0.000000e+00> : vector<4096x128xf32>
    %dot_general3A_228 = tpu.matmul %convert_element_type3A_223, %get3A_226, %dot_general3A_227 {dimension_numbers = #tpu.dot_dimension_numbers<[1], [0], [0], [1], [0, 0, 1, 1], [], []>, transpose_lhs_hint = false} : vector<4096x512xf32>, vector<512x128xf32>, vector<4096x128xf32> -> vector<4096x128xf32>
    %add3A_229 = arith.addf %broadcast_in_dim3A_204, %dot_general3A_228 : vector<4096x128xf32>
    %get3A_230 = arith.constant 1 : index
    %get3A_231 = arith.constant 512 : index
    %get3A_232 = vector.load %arg0[%get3A_230, %get3A_231] : memref<2x4096xf32, #tpu.memory_space<vmem>>, vector<1x512xf32>
    %iota3A_233 = tpu.iota {dimensions = array<i32: 1>} : vector<4096x512xi32>
    %add3A_234 = arith.constant 512 : i32
    %add3A_235 = vector.broadcast %add3A_234 : i32 to vector<4096x512xi32>
    %add3A_236 = arith.addi %iota3A_233, %add3A_235 : vector<4096x512xi32>
    %iota3A_237 = tpu.iota {dimensions = array<i32: 0>} : vector<4096x512xi32>
    %gt3A_238 = vector.broadcast %get3A_232 : vector<1x512xf32> to vector<4096x512xf32>
    %gt3A_239 = vector.broadcast %get3A_202 : vector<4096x1xf32> to vector<4096x512xf32>
    %gt3A_240 = arith.cmpf ogt, %gt3A_238, %gt3A_239 : vector<4096x512xf32>
    %eq3A_241 = vector.broadcast %get3A_232 : vector<1x512xf32> to vector<4096x512xf32>
    %eq3A_242 = vector.broadcast %get3A_202 : vector<4096x1xf32> to vector<4096x512xf32>
    %eq3A_243 = arith.cmpf oeq, %eq3A_241, %eq3A_242 : vector<4096x512xf32>
    %lt3A_244 = arith.cmpi slt, %add3A_236, %iota3A_237 : vector<4096x512xi32>
    %and3A_245 = arith.andi %eq3A_243, %lt3A_244 : vector<4096x512xi1>
    %or3A_246 = arith.ori %gt3A_240, %and3A_245 : vector<4096x512xi1>
    %convert_element_type3A_247 = arith.extui %or3A_246 : vector<4096x512xi1> to vector<4096x512xi32>
    %convert_element_type3A_248 = arith.sitofp %convert_element_type3A_247 : vector<4096x512xi32> to vector<4096x512xf32>
    %get3A_249 = arith.constant 0 : index
    %get3A_250 = arith.constant 0 : index
    %get3A_251 = vector.load %arg2[%get3A_249, %get3A_250] : memref<512x128xf32, #tpu.memory_space<vmem>>, vector<512x128xf32>
    %dot_general3A_252 = arith.constant dense<0.000000e+00> : vector<4096x128xf32>
    %dot_general3A_253 = tpu.matmul %convert_element_type3A_248, %get3A_251, %dot_general3A_252 {dimension_numbers = #tpu.dot_dimension_numbers<[1], [0], [0], [1], [0, 0, 1, 1], [], []>, transpose_lhs_hint = false} : vector<4096x512xf32>, vector<512x128xf32>, vector<4096x128xf32> -> vector<4096x128xf32>
    %add3A_254 = arith.addf %add3A_229, %dot_general3A_253 : vector<4096x128xf32>
    %get3A_255 = arith.constant 1 : index
    %get3A_256 = arith.constant 1024 : index
    %get3A_257 = vector.load %arg0[%get3A_255, %get3A_256] : memref<2x4096xf32, #tpu.memory_space<vmem>>, vector<1x512xf32>
    %iota3A_258 = tpu.iota {dimensions = array<i32: 1>} : vector<4096x512xi32>
    %add3A_259 = arith.constant 1024 : i32
    %add3A_260 = vector.broadcast %add3A_259 : i32 to vector<4096x512xi32>
    %add3A_261 = arith.addi %iota3A_258, %add3A_260 : vector<4096x512xi32>
    %iota3A_262 = tpu.iota {dimensions = array<i32: 0>} : vector<4096x512xi32>
    %gt3A_263 = vector.broadcast %get3A_257 : vector<1x512xf32> to vector<4096x512xf32>
    %gt3A_264 = vector.broadcast %get3A_202 : vector<4096x1xf32> to vector<4096x512xf32>
    %gt3A_265 = arith.cmpf ogt, %gt3A_263, %gt3A_264 : vector<4096x512xf32>
    %eq3A_266 = vector.broadcast %get3A_257 : vector<1x512xf32> to vector<4096x512xf32>
    %eq3A_267 = vector.broadcast %get3A_202 : vector<4096x1xf32> to vector<4096x512xf32>
    %eq3A_268 = arith.cmpf oeq, %eq3A_266, %eq3A_267 : vector<4096x512xf32>
    %lt3A_269 = arith.cmpi slt, %add3A_261, %iota3A_262 : vector<4096x512xi32>
    %and3A_270 = arith.andi %eq3A_268, %lt3A_269 : vector<4096x512xi1>
    %or3A_271 = arith.ori %gt3A_265, %and3A_270 : vector<4096x512xi1>
    %convert_element_type3A_272 = arith.extui %or3A_271 : vector<4096x512xi1> to vector<4096x512xi32>
    %convert_element_type3A_273 = arith.sitofp %convert_element_type3A_272 : vector<4096x512xi32> to vector<4096x512xf32>
    %get3A_274 = arith.constant 0 : index
    %get3A_275 = arith.constant 0 : index
    %get3A_276 = vector.load %arg2[%get3A_274, %get3A_275] : memref<512x128xf32, #tpu.memory_space<vmem>>, vector<512x128xf32>
    %dot_general3A_277 = arith.constant dense<0.000000e+00> : vector<4096x128xf32>
    %dot_general3A_278 = tpu.matmul %convert_element_type3A_273, %get3A_276, %dot_general3A_277 {dimension_numbers = #tpu.dot_dimension_numbers<[1], [0], [0], [1], [0, 0, 1, 1], [], []>, transpose_lhs_hint = false} : vector<4096x512xf32>, vector<512x128xf32>, vector<4096x128xf32> -> vector<4096x128xf32>
    %add3A_279 = arith.addf %add3A_254, %dot_general3A_278 : vector<4096x128xf32>
    %get3A_280 = arith.constant 1 : index
    %get3A_281 = arith.constant 1536 : index
    %get3A_282 = vector.load %arg0[%get3A_280, %get3A_281] : memref<2x4096xf32, #tpu.memory_space<vmem>>, vector<1x512xf32>
    %iota3A_283 = tpu.iota {dimensions = array<i32: 1>} : vector<4096x512xi32>
    %add3A_284 = arith.constant 1536 : i32
    %add3A_285 = vector.broadcast %add3A_284 : i32 to vector<4096x512xi32>
    %add3A_286 = arith.addi %iota3A_283, %add3A_285 : vector<4096x512xi32>
    %iota3A_287 = tpu.iota {dimensions = array<i32: 0>} : vector<4096x512xi32>
    %gt3A_288 = vector.broadcast %get3A_282 : vector<1x512xf32> to vector<4096x512xf32>
    %gt3A_289 = vector.broadcast %get3A_202 : vector<4096x1xf32> to vector<4096x512xf32>
    %gt3A_290 = arith.cmpf ogt, %gt3A_288, %gt3A_289 : vector<4096x512xf32>
    %eq3A_291 = vector.broadcast %get3A_282 : vector<1x512xf32> to vector<4096x512xf32>
    %eq3A_292 = vector.broadcast %get3A_202 : vector<4096x1xf32> to vector<4096x512xf32>
    %eq3A_293 = arith.cmpf oeq, %eq3A_291, %eq3A_292 : vector<4096x512xf32>
    %lt3A_294 = arith.cmpi slt, %add3A_286, %iota3A_287 : vector<4096x512xi32>
    %and3A_295 = arith.andi %eq3A_293, %lt3A_294 : vector<4096x512xi1>
    %or3A_296 = arith.ori %gt3A_290, %and3A_295 : vector<4096x512xi1>
    %convert_element_type3A_297 = arith.extui %or3A_296 : vector<4096x512xi1> to vector<4096x512xi32>
    %convert_element_type3A_298 = arith.sitofp %convert_element_type3A_297 : vector<4096x512xi32> to vector<4096x512xf32>
    %get3A_299 = arith.constant 0 : index
    %get3A_300 = arith.constant 0 : index
    %get3A_301 = vector.load %arg2[%get3A_299, %get3A_300] : memref<512x128xf32, #tpu.memory_space<vmem>>, vector<512x128xf32>
    %dot_general3A_302 = arith.constant dense<0.000000e+00> : vector<4096x128xf32>
    %dot_general3A_303 = tpu.matmul %convert_element_type3A_298, %get3A_301, %dot_general3A_302 {dimension_numbers = #tpu.dot_dimension_numbers<[1], [0], [0], [1], [0, 0, 1, 1], [], []>, transpose_lhs_hint = false} : vector<4096x512xf32>, vector<512x128xf32>, vector<4096x128xf32> -> vector<4096x128xf32>
    %add3A_304 = arith.addf %add3A_279, %dot_general3A_303 : vector<4096x128xf32>
    %get3A_305 = arith.constant 1 : index
    %get3A_306 = arith.constant 2048 : index
    %get3A_307 = vector.load %arg0[%get3A_305, %get3A_306] : memref<2x4096xf32, #tpu.memory_space<vmem>>, vector<1x512xf32>
    %iota3A_308 = tpu.iota {dimensions = array<i32: 1>} : vector<4096x512xi32>
    %add3A_309 = arith.constant 2048 : i32
    %add3A_310 = vector.broadcast %add3A_309 : i32 to vector<4096x512xi32>
    %add3A_311 = arith.addi %iota3A_308, %add3A_310 : vector<4096x512xi32>
    %iota3A_312 = tpu.iota {dimensions = array<i32: 0>} : vector<4096x512xi32>
    %gt3A_313 = vector.broadcast %get3A_307 : vector<1x512xf32> to vector<4096x512xf32>
    %gt3A_314 = vector.broadcast %get3A_202 : vector<4096x1xf32> to vector<4096x512xf32>
    %gt3A_315 = arith.cmpf ogt, %gt3A_313, %gt3A_314 : vector<4096x512xf32>
    %eq3A_316 = vector.broadcast %get3A_307 : vector<1x512xf32> to vector<4096x512xf32>
    %eq3A_317 = vector.broadcast %get3A_202 : vector<4096x1xf32> to vector<4096x512xf32>
    %eq3A_318 = arith.cmpf oeq, %eq3A_316, %eq3A_317 : vector<4096x512xf32>
    %lt3A_319 = arith.cmpi slt, %add3A_311, %iota3A_312 : vector<4096x512xi32>
    %and3A_320 = arith.andi %eq3A_318, %lt3A_319 : vector<4096x512xi1>
    %or3A_321 = arith.ori %gt3A_315, %and3A_320 : vector<4096x512xi1>
    %convert_element_type3A_322 = arith.extui %or3A_321 : vector<4096x512xi1> to vector<4096x512xi32>
    %convert_element_type3A_323 = arith.sitofp %convert_element_type3A_322 : vector<4096x512xi32> to vector<4096x512xf32>
    %get3A_324 = arith.constant 0 : index
    %get3A_325 = arith.constant 0 : index
    %get3A_326 = vector.load %arg2[%get3A_324, %get3A_325] : memref<512x128xf32, #tpu.memory_space<vmem>>, vector<512x128xf32>
    %dot_general3A_327 = arith.constant dense<0.000000e+00> : vector<4096x128xf32>
    %dot_general3A_328 = tpu.matmul %convert_element_type3A_323, %get3A_326, %dot_general3A_327 {dimension_numbers = #tpu.dot_dimension_numbers<[1], [0], [0], [1], [0, 0, 1, 1], [], []>, transpose_lhs_hint = false} : vector<4096x512xf32>, vector<512x128xf32>, vector<4096x128xf32> -> vector<4096x128xf32>
    %add3A_329 = arith.addf %add3A_304, %dot_general3A_328 : vector<4096x128xf32>
    %get3A_330 = arith.constant 1 : index
    %get3A_331 = arith.constant 2560 : index
    %get3A_332 = vector.load %arg0[%get3A_330, %get3A_331] : memref<2x4096xf32, #tpu.memory_space<vmem>>, vector<1x512xf32>
    %iota3A_333 = tpu.iota {dimensions = array<i32: 1>} : vector<4096x512xi32>
    %add3A_334 = arith.constant 2560 : i32
    %add3A_335 = vector.broadcast %add3A_334 : i32 to vector<4096x512xi32>
    %add3A_336 = arith.addi %iota3A_333, %add3A_335 : vector<4096x512xi32>
    %iota3A_337 = tpu.iota {dimensions = array<i32: 0>} : vector<4096x512xi32>
    %gt3A_338 = vector.broadcast %get3A_332 : vector<1x512xf32> to vector<4096x512xf32>
    %gt3A_339 = vector.broadcast %get3A_202 : vector<4096x1xf32> to vector<4096x512xf32>
    %gt3A_340 = arith.cmpf ogt, %gt3A_338, %gt3A_339 : vector<4096x512xf32>
    %eq3A_341 = vector.broadcast %get3A_332 : vector<1x512xf32> to vector<4096x512xf32>
    %eq3A_342 = vector.broadcast %get3A_202 : vector<4096x1xf32> to vector<4096x512xf32>
    %eq3A_343 = arith.cmpf oeq, %eq3A_341, %eq3A_342 : vector<4096x512xf32>
    %lt3A_344 = arith.cmpi slt, %add3A_336, %iota3A_337 : vector<4096x512xi32>
    %and3A_345 = arith.andi %eq3A_343, %lt3A_344 : vector<4096x512xi1>
    %or3A_346 = arith.ori %gt3A_340, %and3A_345 : vector<4096x512xi1>
    %convert_element_type3A_347 = arith.extui %or3A_346 : vector<4096x512xi1> to vector<4096x512xi32>
    %convert_element_type3A_348 = arith.sitofp %convert_element_type3A_347 : vector<4096x512xi32> to vector<4096x512xf32>
    %get3A_349 = arith.constant 0 : index
    %get3A_350 = arith.constant 0 : index
    %get3A_351 = vector.load %arg2[%get3A_349, %get3A_350] : memref<512x128xf32, #tpu.memory_space<vmem>>, vector<512x128xf32>
    %dot_general3A_352 = arith.constant dense<0.000000e+00> : vector<4096x128xf32>
    %dot_general3A_353 = tpu.matmul %convert_element_type3A_348, %get3A_351, %dot_general3A_352 {dimension_numbers = #tpu.dot_dimension_numbers<[1], [0], [0], [1], [0, 0, 1, 1], [], []>, transpose_lhs_hint = false} : vector<4096x512xf32>, vector<512x128xf32>, vector<4096x128xf32> -> vector<4096x128xf32>
    %add3A_354 = arith.addf %add3A_329, %dot_general3A_353 : vector<4096x128xf32>
    %get3A_355 = arith.constant 1 : index
    %get3A_356 = arith.constant 3072 : index
    %get3A_357 = vector.load %arg0[%get3A_355, %get3A_356] : memref<2x4096xf32, #tpu.memory_space<vmem>>, vector<1x512xf32>
    %iota3A_358 = tpu.iota {dimensions = array<i32: 1>} : vector<4096x512xi32>
    %add3A_359 = arith.constant 3072 : i32
    %add3A_360 = vector.broadcast %add3A_359 : i32 to vector<4096x512xi32>
    %add3A_361 = arith.addi %iota3A_358, %add3A_360 : vector<4096x512xi32>
    %iota3A_362 = tpu.iota {dimensions = array<i32: 0>} : vector<4096x512xi32>
    %gt3A_363 = vector.broadcast %get3A_357 : vector<1x512xf32> to vector<4096x512xf32>
    %gt3A_364 = vector.broadcast %get3A_202 : vector<4096x1xf32> to vector<4096x512xf32>
    %gt3A_365 = arith.cmpf ogt, %gt3A_363, %gt3A_364 : vector<4096x512xf32>
    %eq3A_366 = vector.broadcast %get3A_357 : vector<1x512xf32> to vector<4096x512xf32>
    %eq3A_367 = vector.broadcast %get3A_202 : vector<4096x1xf32> to vector<4096x512xf32>
    %eq3A_368 = arith.cmpf oeq, %eq3A_366, %eq3A_367 : vector<4096x512xf32>
    %lt3A_369 = arith.cmpi slt, %add3A_361, %iota3A_362 : vector<4096x512xi32>
    %and3A_370 = arith.andi %eq3A_368, %lt3A_369 : vector<4096x512xi1>
    %or3A_371 = arith.ori %gt3A_365, %and3A_370 : vector<4096x512xi1>
    %convert_element_type3A_372 = arith.extui %or3A_371 : vector<4096x512xi1> to vector<4096x512xi32>
    %convert_element_type3A_373 = arith.sitofp %convert_element_type3A_372 : vector<4096x512xi32> to vector<4096x512xf32>
    %get3A_374 = arith.constant 0 : index
    %get3A_375 = arith.constant 0 : index
    %get3A_376 = vector.load %arg2[%get3A_374, %get3A_375] : memref<512x128xf32, #tpu.memory_space<vmem>>, vector<512x128xf32>
    %dot_general3A_377 = arith.constant dense<0.000000e+00> : vector<4096x128xf32>
    %dot_general3A_378 = tpu.matmul %convert_element_type3A_373, %get3A_376, %dot_general3A_377 {dimension_numbers = #tpu.dot_dimension_numbers<[1], [0], [0], [1], [0, 0, 1, 1], [], []>, transpose_lhs_hint = false} : vector<4096x512xf32>, vector<512x128xf32>, vector<4096x128xf32> -> vector<4096x128xf32>
    %add3A_379 = arith.addf %add3A_354, %dot_general3A_378 : vector<4096x128xf32>
    %get3A_380 = arith.constant 1 : index
    %get3A_381 = arith.constant 3584 : index
    %get3A_382 = vector.load %arg0[%get3A_380, %get3A_381] : memref<2x4096xf32, #tpu.memory_space<vmem>>, vector<1x512xf32>
    %iota3A_383 = tpu.iota {dimensions = array<i32: 1>} : vector<4096x512xi32>
    %add3A_384 = arith.constant 3584 : i32
    %add3A_385 = vector.broadcast %add3A_384 : i32 to vector<4096x512xi32>
    %add3A_386 = arith.addi %iota3A_383, %add3A_385 : vector<4096x512xi32>
    %iota3A_387 = tpu.iota {dimensions = array<i32: 0>} : vector<4096x512xi32>
    %gt3A_388 = vector.broadcast %get3A_382 : vector<1x512xf32> to vector<4096x512xf32>
    %gt3A_389 = vector.broadcast %get3A_202 : vector<4096x1xf32> to vector<4096x512xf32>
    %gt3A_390 = arith.cmpf ogt, %gt3A_388, %gt3A_389 : vector<4096x512xf32>
    %eq3A_391 = vector.broadcast %get3A_382 : vector<1x512xf32> to vector<4096x512xf32>
    %eq3A_392 = vector.broadcast %get3A_202 : vector<4096x1xf32> to vector<4096x512xf32>
    %eq3A_393 = arith.cmpf oeq, %eq3A_391, %eq3A_392 : vector<4096x512xf32>
    %lt3A_394 = arith.cmpi slt, %add3A_386, %iota3A_387 : vector<4096x512xi32>
    %and3A_395 = arith.andi %eq3A_393, %lt3A_394 : vector<4096x512xi1>
    %or3A_396 = arith.ori %gt3A_390, %and3A_395 : vector<4096x512xi1>
    %convert_element_type3A_397 = arith.extui %or3A_396 : vector<4096x512xi1> to vector<4096x512xi32>
    %convert_element_type3A_398 = arith.sitofp %convert_element_type3A_397 : vector<4096x512xi32> to vector<4096x512xf32>
    %get3A_399 = arith.constant 0 : index
    %get3A_400 = arith.constant 0 : index
    %get3A_401 = vector.load %arg2[%get3A_399, %get3A_400] : memref<512x128xf32, #tpu.memory_space<vmem>>, vector<512x128xf32>
    %dot_general3A_402 = arith.constant dense<0.000000e+00> : vector<4096x128xf32>
    %dot_general3A_403 = tpu.matmul %convert_element_type3A_398, %get3A_401, %dot_general3A_402 {dimension_numbers = #tpu.dot_dimension_numbers<[1], [0], [0], [1], [0, 0, 1, 1], [], []>, transpose_lhs_hint = false} : vector<4096x512xf32>, vector<512x128xf32>, vector<4096x128xf32> -> vector<4096x128xf32>
    %add3A_404 = arith.addf %add3A_379, %dot_general3A_403 : vector<4096x128xf32>
    %slice3A_405 = vector.extract_strided_slice %add3A_404 {offsets = [0, 0], sizes = [4096, 1], strides = [1, 1]} : vector<4096x128xf32> to vector<4096x1xf32>
    %convert_element_type3A_406 = arith.fptosi %slice3A_405 : vector<4096x1xf32> to vector<4096x1xi32>
    %add3A_407 = arith.constant 4096 : i32
    %add3A_408 = vector.broadcast %add3A_407 : i32 to vector<4096x1xi32>
    %add3A_409 = arith.addi %convert_element_type3A_406, %add3A_408 : vector<4096x1xi32>
    %swap3A_410 = arith.constant 0 : index
    %swap3A_411 = arith.constant 1 : index
    %swap3A_412 = vector.load %arg3[%swap3A_410, %swap3A_411] : memref<4096x2xi32, #tpu.memory_space<vmem>>, vector<4096x1xi32>
    tpu.vector_store %arg3[%swap3A_410, %swap3A_411], %add3A_409 {strides = array<i32>} : memref<4096x2xi32, #tpu.memory_space<vmem>>, vector<4096x1xi32>,
    return
  }
}

module attributes {stable_mosaic.version = 14 : i64} {
  func.func @_mm_bias_kernel(%arg0: i32, %arg1: memref<512x1024xf32, #tpu.memory_space<vmem>>, %arg2: memref<1024x1024xf32, #tpu.memory_space<vmem>>, %arg3: memref<1x1024xf32, #tpu.memory_space<vmem>>, %arg4: memref<512x1024xf32, #tpu.memory_space<vmem>>) attributes {dimension_semantics = [#tpu.dimension_semantics<arbitrary>], iteration_bounds = array<i64: 16>, scalar_prefetch = 0 : i64, scratch_operands = 0 : i64, tpu.core_type = #tpu.core_type<tc>, window_params = [{transform_indices = @transform_0, window_bounds = array<i64: 512, 1024>}, {pipeline_mode = #tpu.pipeline_mode<synchronous>, transform_indices = @transform_1, window_bounds = array<i64: 1024, 1024>}, {pipeline_mode = #tpu.pipeline_mode<synchronous>, transform_indices = @transform_2, window_bounds = array<i64: 1, 1024>}, {transform_indices = @transform_3, window_bounds = array<i64: 512, 1024>}]} {
    %get3A = arith.constant 0 : index
    %get3A_0 = arith.constant 0 : index
    %get3A_1 = vector.load %arg1[%get3A, %get3A_0] : memref<512x1024xf32, #tpu.memory_space<vmem>>, vector<512x1024xf32>
    %get3A_2 = arith.constant 0 : index
    %get3A_3 = arith.constant 0 : index
    %get3A_4 = vector.load %arg2[%get3A_2, %get3A_3] : memref<1024x1024xf32, #tpu.memory_space<vmem>>, vector<1024x1024xf32>
    %dot_general3A = arith.constant dense<0.000000e+00> : vector<512x1024xf32>
    %dot_general3A_5 = tpu.matmul %get3A_1, %get3A_4, %dot_general3A {dimension_numbers = #tpu.dot_dimension_numbers<[1], [0], [0], [1], [0, 0, 1, 1], [], []>, transpose_lhs_hint = false} : vector<512x1024xf32>, vector<1024x1024xf32>, vector<512x1024xf32> -> vector<512x1024xf32>
    %get3A_6 = arith.constant 0 : index
    %get3A_7 = arith.constant 0 : index
    %get3A_8 = vector.load %arg3[%get3A_6, %get3A_7] : memref<1x1024xf32, #tpu.memory_space<vmem>>, vector<1x1024xf32>
    %add3A = vector.broadcast %get3A_8 : vector<1x1024xf32> to vector<512x1024xf32>
    %add3A_9 = arith.addf %dot_general3A_5, %add3A : vector<512x1024xf32>
    %swap3A = arith.constant 0 : index
    %swap3A_10 = arith.constant 0 : index
    %swap3A_11 = vector.load %arg4[%swap3A, %swap3A_10] : memref<512x1024xf32, #tpu.memory_space<vmem>>, vector<512x1024xf32>
    tpu.vector_store %arg4[%swap3A, %swap3A_10], %add3A_9 {strides = array<i32>} : memref<512x1024xf32, #tpu.memory_space<vmem>>, vector<512x1024xf32>,
    return
  }
  func.func @transform_0(%arg0: i32) -> (i32, i32) {
    %c0_i32 = arith.constant 0 : i32
    %c0_i32_0 = arith.constant 0 : i32
    return %arg0, %c0_i32 : i32, i32
  }
  func.func @transform_1(%arg0: i32) -> (i32, i32) {
    %c0_i32 = arith.constant 0 : i32
    %c0_i32_0 = arith.constant 0 : i32
    %c0_i32_1 = arith.constant 0 : i32
    return %c0_i32, %c0_i32_0 : i32, i32
  }
  func.func @transform_2(%arg0: i32) -> (i32, i32) {
    %c0_i32 = arith.constant 0 : i32
    %c0_i32_0 = arith.constant 0 : i32
    %c0_i32_1 = arith.constant 0 : i32
    return %c0_i32, %c0_i32_0 : i32, i32
  }
  func.func @transform_3(%arg0: i32) -> (i32, i32) {
    %c0_i32 = arith.constant 0 : i32
    %c0_i32_0 = arith.constant 0 : i32
    return %arg0, %c0_i32 : i32, i32
  }
}

module attributes {stable_mosaic.version = 14 : i64} {
  func.func @_conv_kernel(%arg0: i32, %arg1: memref<512x2048xf32, #tpu.memory_space<vmem>>, %arg2: memref<512x1024xf32, #tpu.memory_space<vmem>>, %arg3: memref<1024x1024xf32, #tpu.memory_space<vmem>>, %arg4: memref<1024x1024xf32, #tpu.memory_space<vmem>>, %arg5: memref<1024x1024xf32, #tpu.memory_space<vmem>>, %arg6: memref<1x1024xf32, #tpu.memory_space<vmem>>, %arg7: memref<512x1024xf32, #tpu.memory_space<vmem>>) attributes {dimension_semantics = [#tpu.dimension_semantics<arbitrary>], iteration_bounds = array<i64: 4>, scalar_prefetch = 0 : i64, scratch_operands = 0 : i64, tpu.core_type = #tpu.core_type<tc>, window_params = [{transform_indices = @transform_0, window_bounds = array<i64: 512, 2048>}, {transform_indices = @transform_1, window_bounds = array<i64: 512, 1024>}, {pipeline_mode = #tpu.pipeline_mode<synchronous>, transform_indices = @transform_2, window_bounds = array<i64: 1024, 1024>}, {pipeline_mode = #tpu.pipeline_mode<synchronous>, transform_indices = @transform_3, window_bounds = array<i64: 1024, 1024>}, {pipeline_mode = #tpu.pipeline_mode<synchronous>, transform_indices = @transform_4, window_bounds = array<i64: 1024, 1024>}, {pipeline_mode = #tpu.pipeline_mode<synchronous>, transform_indices = @transform_5, window_bounds = array<i64: 1, 1024>}, {transform_indices = @transform_6, window_bounds = array<i64: 512, 1024>}]} {
    %get3A = arith.constant 0 : index
    %get3A_0 = arith.constant 0 : index
    %get3A_1 = vector.load %arg1[%get3A, %get3A_0] : memref<512x2048xf32, #tpu.memory_space<vmem>>, vector<512x1024xf32>
    %get3A_2 = arith.constant 0 : index
    %get3A_3 = arith.constant 0 : index
    %get3A_4 = vector.load %arg3[%get3A_2, %get3A_3] : memref<1024x1024xf32, #tpu.memory_space<vmem>>, vector<1024x1024xf32>
    %dot_general3A = arith.constant dense<0.000000e+00> : vector<512x1024xf32>
    %dot_general3A_5 = tpu.matmul %get3A_1, %get3A_4, %dot_general3A {dimension_numbers = #tpu.dot_dimension_numbers<[1], [0], [0], [1], [0, 0, 1, 1], [], []>, transpose_lhs_hint = false} : vector<512x1024xf32>, vector<1024x1024xf32>, vector<512x1024xf32> -> vector<512x1024xf32>
    %get3A_6 = arith.constant 0 : index
    %get3A_7 = arith.constant 1024 : index
    %get3A_8 = vector.load %arg1[%get3A_6, %get3A_7] : memref<512x2048xf32, #tpu.memory_space<vmem>>, vector<512x1024xf32>
    %get3A_9 = arith.constant 0 : index
    %get3A_10 = arith.constant 0 : index
    %get3A_11 = vector.load %arg4[%get3A_9, %get3A_10] : memref<1024x1024xf32, #tpu.memory_space<vmem>>, vector<1024x1024xf32>
    %dot_general3A_12 = arith.constant dense<0.000000e+00> : vector<512x1024xf32>
    %dot_general3A_13 = tpu.matmul %get3A_8, %get3A_11, %dot_general3A_12 {dimension_numbers = #tpu.dot_dimension_numbers<[1], [0], [0], [1], [0, 0, 1, 1], [], []>, transpose_lhs_hint = false} : vector<512x1024xf32>, vector<1024x1024xf32>, vector<512x1024xf32> -> vector<512x1024xf32>
    %add3A = arith.addf %dot_general3A_5, %dot_general3A_13 : vector<512x1024xf32>
    %get3A_14 = arith.constant 0 : index
    %get3A_15 = arith.constant 0 : index
    %get3A_16 = vector.load %arg2[%get3A_14, %get3A_15] : memref<512x1024xf32, #tpu.memory_space<vmem>>, vector<512x1024xf32>
    %get3A_17 = arith.constant 0 : index
    %get3A_18 = arith.constant 0 : index
    %get3A_19 = vector.load %arg5[%get3A_17, %get3A_18] : memref<1024x1024xf32, #tpu.memory_space<vmem>>, vector<1024x1024xf32>
    %dot_general3A_20 = arith.constant dense<0.000000e+00> : vector<512x1024xf32>
    %dot_general3A_21 = tpu.matmul %get3A_16, %get3A_19, %dot_general3A_20 {dimension_numbers = #tpu.dot_dimension_numbers<[1], [0], [0], [1], [0, 0, 1, 1], [], []>, transpose_lhs_hint = false} : vector<512x1024xf32>, vector<1024x1024xf32>, vector<512x1024xf32> -> vector<512x1024xf32>
    %add3A_22 = arith.addf %add3A, %dot_general3A_21 : vector<512x1024xf32>
    %get3A_23 = arith.constant 0 : index
    %get3A_24 = arith.constant 0 : index
    %get3A_25 = vector.load %arg6[%get3A_23, %get3A_24] : memref<1x1024xf32, #tpu.memory_space<vmem>>, vector<1x1024xf32>
    %add3A_26 = vector.broadcast %get3A_25 : vector<1x1024xf32> to vector<512x1024xf32>
    %add3A_27 = arith.addf %add3A_22, %add3A_26 : vector<512x1024xf32>
    %integer_pow3A = arith.mulf %add3A_27, %add3A_27 : vector<512x1024xf32>
    %integer_pow3A_28 = arith.mulf %add3A_27, %integer_pow3A : vector<512x1024xf32>
    %mul3A = arith.constant 4.471500e-02 : f32
    %mul3A_29 = vector.broadcast %mul3A : f32 to vector<512x1024xf32>
    %mul3A_30 = arith.mulf %mul3A_29, %integer_pow3A_28 : vector<512x1024xf32>
    %add3A_31 = arith.addf %add3A_27, %mul3A_30 : vector<512x1024xf32>
    %mul3A_32 = arith.constant 0.797884583 : f32
    %mul3A_33 = vector.broadcast %mul3A_32 : f32 to vector<512x1024xf32>
    %mul3A_34 = arith.mulf %mul3A_33, %add3A_31 : vector<512x1024xf32>
    %tanh3A = math.tanh %mul3A_34 : vector<512x1024xf32>
    %add3A_35 = arith.constant 1.000000e+00 : f32
    %add3A_36 = vector.broadcast %add3A_35 : f32 to vector<512x1024xf32>
    %add3A_37 = arith.addf %add3A_36, %tanh3A : vector<512x1024xf32>
    %mul3A_38 = arith.constant 5.000000e-01 : f32
    %mul3A_39 = vector.broadcast %mul3A_38 : f32 to vector<512x1024xf32>
    %mul3A_40 = arith.mulf %mul3A_39, %add3A_37 : vector<512x1024xf32>
    %mul3A_41 = arith.mulf %add3A_27, %mul3A_40 : vector<512x1024xf32>
    %swap3A = arith.constant 0 : index
    %swap3A_42 = arith.constant 0 : index
    %swap3A_43 = vector.load %arg7[%swap3A, %swap3A_42] : memref<512x1024xf32, #tpu.memory_space<vmem>>, vector<512x1024xf32>
    tpu.vector_store %arg7[%swap3A, %swap3A_42], %mul3A_41 {strides = array<i32>} : memref<512x1024xf32, #tpu.memory_space<vmem>>, vector<512x1024xf32>,
    return
  }
  func.func @transform_0(%arg0: i32) -> (i32, i32) {
    %c0_i32 = arith.constant 0 : i32
    %c0_i32_0 = arith.constant 0 : i32
    return %arg0, %c0_i32 : i32, i32
  }
  func.func @transform_1(%arg0: i32) -> (i32, i32) {
    %c0_i32 = arith.constant 0 : i32
    %c0_i32_0 = arith.constant 0 : i32
    return %arg0, %c0_i32 : i32, i32
  }
  func.func @transform_2(%arg0: i32) -> (i32, i32) {
    %c0_i32 = arith.constant 0 : i32
    %c0_i32_0 = arith.constant 0 : i32
    %c0_i32_1 = arith.constant 0 : i32
    return %c0_i32, %c0_i32_0 : i32, i32
  }
  func.func @transform_3(%arg0: i32) -> (i32, i32) {
    %c0_i32 = arith.constant 0 : i32
    %c0_i32_0 = arith.constant 0 : i32
    %c0_i32_1 = arith.constant 0 : i32
    return %c0_i32, %c0_i32_0 : i32, i32
  }
  func.func @transform_4(%arg0: i32) -> (i32, i32) {
    %c0_i32 = arith.constant 0 : i32
    %c0_i32_0 = arith.constant 0 : i32
    %c0_i32_1 = arith.constant 0 : i32
    return %c0_i32, %c0_i32_0 : i32, i32
  }
  func.func @transform_5(%arg0: i32) -> (i32, i32) {
    %c0_i32 = arith.constant 0 : i32
    %c0_i32_0 = arith.constant 0 : i32
    %c0_i32_1 = arith.constant 0 : i32
    return %c0_i32, %c0_i32_0 : i32, i32
  }
  func.func @transform_6(%arg0: i32) -> (i32, i32) {
    %c0_i32 = arith.constant 0 : i32
    %c0_i32_0 = arith.constant 0 : i32
    return %arg0, %c0_i32 : i32, i32
  }
}

module attributes {stable_mosaic.version = 14 : i64} {
  func.func @_mm_kernel(%arg0: i32, %arg1: memref<512x1024xf32, #tpu.memory_space<vmem>>, %arg2: memref<1024x1024xf32, #tpu.memory_space<vmem>>, %arg3: memref<512x1024xf32, #tpu.memory_space<vmem>>) attributes {dimension_semantics = [#tpu.dimension_semantics<arbitrary>], iteration_bounds = array<i64: 2>, scalar_prefetch = 0 : i64, scratch_operands = 0 : i64, tpu.core_type = #tpu.core_type<tc>, window_params = [{transform_indices = @transform_0, window_bounds = array<i64: 512, 1024>}, {pipeline_mode = #tpu.pipeline_mode<synchronous>, transform_indices = @transform_1, window_bounds = array<i64: 1024, 1024>}, {transform_indices = @transform_2, window_bounds = array<i64: 512, 1024>}]} {
    %get3A = arith.constant 0 : index
    %get3A_0 = arith.constant 0 : index
    %get3A_1 = vector.load %arg1[%get3A, %get3A_0] : memref<512x1024xf32, #tpu.memory_space<vmem>>, vector<512x1024xf32>
    %get3A_2 = arith.constant 0 : index
    %get3A_3 = arith.constant 0 : index
    %get3A_4 = vector.load %arg2[%get3A_2, %get3A_3] : memref<1024x1024xf32, #tpu.memory_space<vmem>>, vector<1024x1024xf32>
    %dot_general3A = arith.constant dense<0.000000e+00> : vector<512x1024xf32>
    %dot_general3A_5 = tpu.matmul %get3A_1, %get3A_4, %dot_general3A {dimension_numbers = #tpu.dot_dimension_numbers<[1], [0], [0], [1], [0, 0, 1, 1], [], []>, transpose_lhs_hint = false} : vector<512x1024xf32>, vector<1024x1024xf32>, vector<512x1024xf32> -> vector<512x1024xf32>
    %swap3A = arith.constant 0 : index
    %swap3A_6 = arith.constant 0 : index
    %swap3A_7 = vector.load %arg3[%swap3A, %swap3A_6] : memref<512x1024xf32, #tpu.memory_space<vmem>>, vector<512x1024xf32>
    tpu.vector_store %arg3[%swap3A, %swap3A_6], %dot_general3A_5 {strides = array<i32>} : memref<512x1024xf32, #tpu.memory_space<vmem>>, vector<512x1024xf32>,
    return
  }
  func.func @transform_0(%arg0: i32) -> (i32, i32) {
    %c0_i32 = arith.constant 0 : i32
    %c0_i32_0 = arith.constant 0 : i32
    return %arg0, %c0_i32 : i32, i32
  }
  func.func @transform_1(%arg0: i32) -> (i32, i32) {
    %c0_i32 = arith.constant 0 : i32
    %c0_i32_0 = arith.constant 0 : i32
    %c0_i32_1 = arith.constant 0 : i32
    return %c0_i32, %c0_i32_0 : i32, i32
  }
  func.func @transform_2(%arg0: i32) -> (i32, i32) {
    %c0_i32 = arith.constant 0 : i32
    %c0_i32_0 = arith.constant 0 : i32
    return %arg0, %c0_i32 : i32, i32
  }
}

module attributes {stable_mosaic.version = 14 : i64} {
  func.func @_mm_kernel(%arg0: i32, %arg1: memref<512x1024xf32, #tpu.memory_space<vmem>>, %arg2: memref<1024x1024xf32, #tpu.memory_space<vmem>>, %arg3: memref<512x1024xf32, #tpu.memory_space<vmem>>) attributes {dimension_semantics = [#tpu.dimension_semantics<arbitrary>], iteration_bounds = array<i64: 8>, scalar_prefetch = 0 : i64, scratch_operands = 0 : i64, tpu.core_type = #tpu.core_type<tc>, window_params = [{transform_indices = @transform_0, window_bounds = array<i64: 512, 1024>}, {pipeline_mode = #tpu.pipeline_mode<synchronous>, transform_indices = @transform_1, window_bounds = array<i64: 1024, 1024>}, {transform_indices = @transform_2, window_bounds = array<i64: 512, 1024>}]} {
    %get3A = arith.constant 0 : index
    %get3A_0 = arith.constant 0 : index
    %get3A_1 = vector.load %arg1[%get3A, %get3A_0] : memref<512x1024xf32, #tpu.memory_space<vmem>>, vector<512x1024xf32>
    %get3A_2 = arith.constant 0 : index
    %get3A_3 = arith.constant 0 : index
    %get3A_4 = vector.load %arg2[%get3A_2, %get3A_3] : memref<1024x1024xf32, #tpu.memory_space<vmem>>, vector<1024x1024xf32>
    %dot_general3A = arith.constant dense<0.000000e+00> : vector<512x1024xf32>
    %dot_general3A_5 = tpu.matmul %get3A_1, %get3A_4, %dot_general3A {dimension_numbers = #tpu.dot_dimension_numbers<[1], [0], [0], [1], [0, 0, 1, 1], [], []>, transpose_lhs_hint = false} : vector<512x1024xf32>, vector<1024x1024xf32>, vector<512x1024xf32> -> vector<512x1024xf32>
    %swap3A = arith.constant 0 : index
    %swap3A_6 = arith.constant 0 : index
    %swap3A_7 = vector.load %arg3[%swap3A, %swap3A_6] : memref<512x1024xf32, #tpu.memory_space<vmem>>, vector<512x1024xf32>
    tpu.vector_store %arg3[%swap3A, %swap3A_6], %dot_general3A_5 {strides = array<i32>} : memref<512x1024xf32, #tpu.memory_space<vmem>>, vector<512x1024xf32>,
    return
  }
  func.func @transform_0(%arg0: i32) -> (i32, i32) {
    %c0_i32 = arith.constant 0 : i32
    %c0_i32_0 = arith.constant 0 : i32
    return %arg0, %c0_i32 : i32, i32
  }
  func.func @transform_1(%arg0: i32) -> (i32, i32) {
    %c0_i32 = arith.constant 0 : i32
    %c0_i32_0 = arith.constant 0 : i32
    %c0_i32_1 = arith.constant 0 : i32
    return %c0_i32, %c0_i32_0 : i32, i32
  }
  func.func @transform_2(%arg0: i32) -> (i32, i32) {
    %c0_i32 = arith.constant 0 : i32
    %c0_i32_0 = arith.constant 0 : i32
    return %arg0, %c0_i32 : i32, i32
  }
}

module attributes {stable_mosaic.version = 14 : i64} {
  func.func @_conv_kernel(%arg0: i32, %arg1: memref<512x2048xf32, #tpu.memory_space<vmem>>, %arg2: memref<512x1024xf32, #tpu.memory_space<vmem>>, %arg3: memref<1024x1024xf32, #tpu.memory_space<vmem>>, %arg4: memref<1024x1024xf32, #tpu.memory_space<vmem>>, %arg5: memref<1024x1024xf32, #tpu.memory_space<vmem>>, %arg6: memref<1x1024xf32, #tpu.memory_space<vmem>>, %arg7: memref<512x1024xf32, #tpu.memory_space<vmem>>) attributes {dimension_semantics = [#tpu.dimension_semantics<arbitrary>], iteration_bounds = array<i64: 2>, scalar_prefetch = 0 : i64, scratch_operands = 0 : i64, tpu.core_type = #tpu.core_type<tc>, window_params = [{transform_indices = @transform_0, window_bounds = array<i64: 512, 2048>}, {transform_indices = @transform_1, window_bounds = array<i64: 512, 1024>}, {pipeline_mode = #tpu.pipeline_mode<synchronous>, transform_indices = @transform_2, window_bounds = array<i64: 1024, 1024>}, {pipeline_mode = #tpu.pipeline_mode<synchronous>, transform_indices = @transform_3, window_bounds = array<i64: 1024, 1024>}, {pipeline_mode = #tpu.pipeline_mode<synchronous>, transform_indices = @transform_4, window_bounds = array<i64: 1024, 1024>}, {pipeline_mode = #tpu.pipeline_mode<synchronous>, transform_indices = @transform_5, window_bounds = array<i64: 1, 1024>}, {transform_indices = @transform_6, window_bounds = array<i64: 512, 1024>}]} {
    %get3A = arith.constant 0 : index
    %get3A_0 = arith.constant 0 : index
    %get3A_1 = vector.load %arg1[%get3A, %get3A_0] : memref<512x2048xf32, #tpu.memory_space<vmem>>, vector<512x1024xf32>
    %get3A_2 = arith.constant 0 : index
    %get3A_3 = arith.constant 0 : index
    %get3A_4 = vector.load %arg3[%get3A_2, %get3A_3] : memref<1024x1024xf32, #tpu.memory_space<vmem>>, vector<1024x1024xf32>
    %dot_general3A = arith.constant dense<0.000000e+00> : vector<512x1024xf32>
    %dot_general3A_5 = tpu.matmul %get3A_1, %get3A_4, %dot_general3A {dimension_numbers = #tpu.dot_dimension_numbers<[1], [0], [0], [1], [0, 0, 1, 1], [], []>, transpose_lhs_hint = false} : vector<512x1024xf32>, vector<1024x1024xf32>, vector<512x1024xf32> -> vector<512x1024xf32>
    %get3A_6 = arith.constant 0 : index
    %get3A_7 = arith.constant 1024 : index
    %get3A_8 = vector.load %arg1[%get3A_6, %get3A_7] : memref<512x2048xf32, #tpu.memory_space<vmem>>, vector<512x1024xf32>
    %get3A_9 = arith.constant 0 : index
    %get3A_10 = arith.constant 0 : index
    %get3A_11 = vector.load %arg4[%get3A_9, %get3A_10] : memref<1024x1024xf32, #tpu.memory_space<vmem>>, vector<1024x1024xf32>
    %dot_general3A_12 = arith.constant dense<0.000000e+00> : vector<512x1024xf32>
    %dot_general3A_13 = tpu.matmul %get3A_8, %get3A_11, %dot_general3A_12 {dimension_numbers = #tpu.dot_dimension_numbers<[1], [0], [0], [1], [0, 0, 1, 1], [], []>, transpose_lhs_hint = false} : vector<512x1024xf32>, vector<1024x1024xf32>, vector<512x1024xf32> -> vector<512x1024xf32>
    %add3A = arith.addf %dot_general3A_5, %dot_general3A_13 : vector<512x1024xf32>
    %get3A_14 = arith.constant 0 : index
    %get3A_15 = arith.constant 0 : index
    %get3A_16 = vector.load %arg2[%get3A_14, %get3A_15] : memref<512x1024xf32, #tpu.memory_space<vmem>>, vector<512x1024xf32>
    %get3A_17 = arith.constant 0 : index
    %get3A_18 = arith.constant 0 : index
    %get3A_19 = vector.load %arg5[%get3A_17, %get3A_18] : memref<1024x1024xf32, #tpu.memory_space<vmem>>, vector<1024x1024xf32>
    %dot_general3A_20 = arith.constant dense<0.000000e+00> : vector<512x1024xf32>
    %dot_general3A_21 = tpu.matmul %get3A_16, %get3A_19, %dot_general3A_20 {dimension_numbers = #tpu.dot_dimension_numbers<[1], [0], [0], [1], [0, 0, 1, 1], [], []>, transpose_lhs_hint = false} : vector<512x1024xf32>, vector<1024x1024xf32>, vector<512x1024xf32> -> vector<512x1024xf32>
    %add3A_22 = arith.addf %add3A, %dot_general3A_21 : vector<512x1024xf32>
    %get3A_23 = arith.constant 0 : index
    %get3A_24 = arith.constant 0 : index
    %get3A_25 = vector.load %arg6[%get3A_23, %get3A_24] : memref<1x1024xf32, #tpu.memory_space<vmem>>, vector<1x1024xf32>
    %add3A_26 = vector.broadcast %get3A_25 : vector<1x1024xf32> to vector<512x1024xf32>
    %add3A_27 = arith.addf %add3A_22, %add3A_26 : vector<512x1024xf32>
    %integer_pow3A = arith.mulf %add3A_27, %add3A_27 : vector<512x1024xf32>
    %integer_pow3A_28 = arith.mulf %add3A_27, %integer_pow3A : vector<512x1024xf32>
    %mul3A = arith.constant 4.471500e-02 : f32
    %mul3A_29 = vector.broadcast %mul3A : f32 to vector<512x1024xf32>
    %mul3A_30 = arith.mulf %mul3A_29, %integer_pow3A_28 : vector<512x1024xf32>
    %add3A_31 = arith.addf %add3A_27, %mul3A_30 : vector<512x1024xf32>
    %mul3A_32 = arith.constant 0.797884583 : f32
    %mul3A_33 = vector.broadcast %mul3A_32 : f32 to vector<512x1024xf32>
    %mul3A_34 = arith.mulf %mul3A_33, %add3A_31 : vector<512x1024xf32>
    %tanh3A = math.tanh %mul3A_34 : vector<512x1024xf32>
    %add3A_35 = arith.constant 1.000000e+00 : f32
    %add3A_36 = vector.broadcast %add3A_35 : f32 to vector<512x1024xf32>
    %add3A_37 = arith.addf %add3A_36, %tanh3A : vector<512x1024xf32>
    %mul3A_38 = arith.constant 5.000000e-01 : f32
    %mul3A_39 = vector.broadcast %mul3A_38 : f32 to vector<512x1024xf32>
    %mul3A_40 = arith.mulf %mul3A_39, %add3A_37 : vector<512x1024xf32>
    %mul3A_41 = arith.mulf %add3A_27, %mul3A_40 : vector<512x1024xf32>
    %swap3A = arith.constant 0 : index
    %swap3A_42 = arith.constant 0 : index
    %swap3A_43 = vector.load %arg7[%swap3A, %swap3A_42] : memref<512x1024xf32, #tpu.memory_space<vmem>>, vector<512x1024xf32>
    tpu.vector_store %arg7[%swap3A, %swap3A_42], %mul3A_41 {strides = array<i32>} : memref<512x1024xf32, #tpu.memory_space<vmem>>, vector<512x1024xf32>,
    return
  }
  func.func @transform_0(%arg0: i32) -> (i32, i32) {
    %c0_i32 = arith.constant 0 : i32
    %c0_i32_0 = arith.constant 0 : i32
    return %arg0, %c0_i32 : i32, i32
  }
  func.func @transform_1(%arg0: i32) -> (i32, i32) {
    %c0_i32 = arith.constant 0 : i32
    %c0_i32_0 = arith.constant 0 : i32
    return %arg0, %c0_i32 : i32, i32
  }
  func.func @transform_2(%arg0: i32) -> (i32, i32) {
    %c0_i32 = arith.constant 0 : i32
    %c0_i32_0 = arith.constant 0 : i32
    %c0_i32_1 = arith.constant 0 : i32
    return %c0_i32, %c0_i32_0 : i32, i32
  }
  func.func @transform_3(%arg0: i32) -> (i32, i32) {
    %c0_i32 = arith.constant 0 : i32
    %c0_i32_0 = arith.constant 0 : i32
    %c0_i32_1 = arith.constant 0 : i32
    return %c0_i32, %c0_i32_0 : i32, i32
  }
  func.func @transform_4(%arg0: i32) -> (i32, i32) {
    %c0_i32 = arith.constant 0 : i32
    %c0_i32_0 = arith.constant 0 : i32
    %c0_i32_1 = arith.constant 0 : i32
    return %c0_i32, %c0_i32_0 : i32, i32
  }
  func.func @transform_5(%arg0: i32) -> (i32, i32) {
    %c0_i32 = arith.constant 0 : i32
    %c0_i32_0 = arith.constant 0 : i32
    %c0_i32_1 = arith.constant 0 : i32
    return %c0_i32, %c0_i32_0 : i32, i32
  }
  func.func @transform_6(%arg0: i32) -> (i32, i32) {
    %c0_i32 = arith.constant 0 : i32
    %c0_i32_0 = arith.constant 0 : i32
    return %arg0, %c0_i32 : i32, i32
  }
}

module attributes {stable_mosaic.version = 14 : i64} {
  func.func @_kv_kernel(%arg0: i32, %arg1: memref<1x512x1024xf32, #tpu.memory_space<vmem>>, %arg2: memref<1024x1024xf32, #tpu.memory_space<vmem>>, %arg3: memref<1024x1024xf32, #tpu.memory_space<vmem>>, %arg4: memref<1x512x1024xf32, #tpu.memory_space<vmem>>, %arg5: memref<1x512x1024xf32, #tpu.memory_space<vmem>>) attributes {dimension_semantics = [#tpu.dimension_semantics<arbitrary>], iteration_bounds = array<i64: 2>, scalar_prefetch = 0 : i64, scratch_operands = 0 : i64, tpu.core_type = #tpu.core_type<tc>, window_params = [{transform_indices = @transform_0, window_bounds = array<i64: 1, 512, 1024>}, {pipeline_mode = #tpu.pipeline_mode<synchronous>, transform_indices = @transform_1, window_bounds = array<i64: 1024, 1024>}, {pipeline_mode = #tpu.pipeline_mode<synchronous>, transform_indices = @transform_2, window_bounds = array<i64: 1024, 1024>}, {transform_indices = @transform_3, window_bounds = array<i64: 1, 512, 1024>}, {transform_indices = @transform_4, window_bounds = array<i64: 1, 512, 1024>}]} {
    %get3A = arith.constant 0 : index
    %get3A_0 = arith.constant 0 : index
    %get3A_1 = arith.constant 0 : index
    %get3A_2 = vector.load %arg1[%get3A, %get3A_0, %get3A_1] : memref<1x512x1024xf32, #tpu.memory_space<vmem>>, vector<1x512x1024xf32>
    %get3A_3 = vector.shape_cast %get3A_2 : vector<1x512x1024xf32> to vector<512x1024xf32>
    %get3A_4 = arith.constant 0 : index
    %get3A_5 = arith.constant 0 : index
    %get3A_6 = vector.load %arg2[%get3A_4, %get3A_5] : memref<1024x1024xf32, #tpu.memory_space<vmem>>, vector<1024x1024xf32>
    %dot_general3A = arith.constant dense<0.000000e+00> : vector<512x1024xf32>
    %dot_general3A_7 = tpu.matmul %get3A_3, %get3A_6, %dot_general3A {dimension_numbers = #tpu.dot_dimension_numbers<[1], [0], [0], [1], [0, 0, 1, 1], [], []>, transpose_lhs_hint = false} : vector<512x1024xf32>, vector<1024x1024xf32>, vector<512x1024xf32> -> vector<512x1024xf32>
    %broadcast_in_dim3A = vector.shape_cast %dot_general3A_7 : vector<512x1024xf32> to vector<1x512x1024xf32>
    %swap3A = arith.constant 0 : index
    %swap3A_8 = arith.constant 0 : index
    %swap3A_9 = arith.constant 0 : index
    %swap3A_10 = vector.load %arg4[%swap3A, %swap3A_8, %swap3A_9] : memref<1x512x1024xf32, #tpu.memory_space<vmem>>, vector<1x512x1024xf32>
    tpu.vector_store %arg4[%swap3A, %swap3A_8, %swap3A_9], %broadcast_in_dim3A {strides = array<i32>} : memref<1x512x1024xf32, #tpu.memory_space<vmem>>, vector<1x512x1024xf32>,
    %get3A_11 = arith.constant 0 : index
    %get3A_12 = arith.constant 0 : index
    %get3A_13 = vector.load %arg3[%get3A_11, %get3A_12] : memref<1024x1024xf32, #tpu.memory_space<vmem>>, vector<1024x1024xf32>
    %dot_general3A_14 = arith.constant dense<0.000000e+00> : vector<512x1024xf32>
    %dot_general3A_15 = tpu.matmul %get3A_3, %get3A_13, %dot_general3A_14 {dimension_numbers = #tpu.dot_dimension_numbers<[1], [0], [0], [1], [0, 0, 1, 1], [], []>, transpose_lhs_hint = false} : vector<512x1024xf32>, vector<1024x1024xf32>, vector<512x1024xf32> -> vector<512x1024xf32>
    %broadcast_in_dim3A_16 = vector.shape_cast %dot_general3A_15 : vector<512x1024xf32> to vector<1x512x1024xf32>
    %swap3A_17 = arith.constant 0 : index
    %swap3A_18 = arith.constant 0 : index
    %swap3A_19 = arith.constant 0 : index
    %swap3A_20 = vector.load %arg5[%swap3A_17, %swap3A_18, %swap3A_19] : memref<1x512x1024xf32, #tpu.memory_space<vmem>>, vector<1x512x1024xf32>
    tpu.vector_store %arg5[%swap3A_17, %swap3A_18, %swap3A_19], %broadcast_in_dim3A_16 {strides = array<i32>} : memref<1x512x1024xf32, #tpu.memory_space<vmem>>, vector<1x512x1024xf32>,
    return
  }
  func.func @transform_0(%arg0: i32) -> (i32, i32, i32) {
    %c0_i32 = arith.constant 0 : i32
    %c0_i32_0 = arith.constant 0 : i32
    %c0_i32_1 = arith.constant 0 : i32
    return %arg0, %c0_i32, %c0_i32_0 : i32, i32, i32
  }
  func.func @transform_1(%arg0: i32) -> (i32, i32) {
    %c0_i32 = arith.constant 0 : i32
    %c0_i32_0 = arith.constant 0 : i32
    %c0_i32_1 = arith.constant 0 : i32
    return %c0_i32, %c0_i32_0 : i32, i32
  }
  func.func @transform_2(%arg0: i32) -> (i32, i32) {
    %c0_i32 = arith.constant 0 : i32
    %c0_i32_0 = arith.constant 0 : i32
    %c0_i32_1 = arith.constant 0 : i32
    return %c0_i32, %c0_i32_0 : i32, i32
  }
  func.func @transform_3(%arg0: i32) -> (i32, i32, i32) {
    %c0_i32 = arith.constant 0 : i32
    %c0_i32_0 = arith.constant 0 : i32
    %c0_i32_1 = arith.constant 0 : i32
    return %arg0, %c0_i32, %c0_i32_0 : i32, i32, i32
  }
  func.func @transform_4(%arg0: i32) -> (i32, i32, i32) {
    %c0_i32 = arith.constant 0 : i32
    %c0_i32_0 = arith.constant 0 : i32
    %c0_i32_1 = arith.constant 0 : i32
    return %arg0, %c0_i32, %c0_i32_0 : i32, i32, i32
  }
}

module attributes {stable_mosaic.version = 14 : i64} {
  func.func @_attn_kernel(%arg0: i32, %arg1: i32, %arg2: memref<512x1024xf32, #tpu.memory_space<vmem>>, %arg3: memref<1x512x1024xf32, #tpu.memory_space<vmem>>, %arg4: memref<1x512x1024xf32, #tpu.memory_space<vmem>>, %arg5: memref<1024x1024xf32, #tpu.memory_space<vmem>>, %arg6: memref<1x1024xf32, #tpu.memory_space<vmem>>, %arg7: memref<1x512x1024xf32, #tpu.memory_space<vmem>>) attributes {dimension_semantics = [#tpu.dimension_semantics<arbitrary>, #tpu.dimension_semantics<arbitrary>], iteration_bounds = array<i64: 2, 8>, scalar_prefetch = 0 : i64, scratch_operands = 0 : i64, tpu.core_type = #tpu.core_type<tc>, window_params = [{transform_indices = @transform_0, window_bounds = array<i64: 512, 1024>}, {transform_indices = @transform_1, window_bounds = array<i64: 1, 512, 1024>}, {transform_indices = @transform_2, window_bounds = array<i64: 1, 512, 1024>}, {pipeline_mode = #tpu.pipeline_mode<synchronous>, transform_indices = @transform_3, window_bounds = array<i64: 1024, 1024>}, {pipeline_mode = #tpu.pipeline_mode<synchronous>, transform_indices = @transform_4, window_bounds = array<i64: 1, 1024>}, {transform_indices = @transform_5, window_bounds = array<i64: 1, 512, 1024>}]} {
    %get3A = arith.constant 0 : index
    %get3A_0 = arith.constant 0 : index
    %get3A_1 = vector.load %arg2[%get3A, %get3A_0] : memref<512x1024xf32, #tpu.memory_space<vmem>>, vector<512x1024xf32>
    %get3A_2 = arith.constant 0 : index
    %get3A_3 = arith.constant 0 : index
    %get3A_4 = arith.constant 0 : index
    %get3A_5 = vector.load %arg3[%get3A_2, %get3A_3, %get3A_4] : memref<1x512x1024xf32, #tpu.memory_space<vmem>>, vector<1x512x1024xf32>
    %get3A_6 = vector.shape_cast %get3A_5 : vector<1x512x1024xf32> to vector<512x1024xf32>
    %get3A_7 = arith.constant 0 : index
    %get3A_8 = arith.constant 0 : index
    %get3A_9 = arith.constant 0 : index
    %get3A_10 = vector.load %arg4[%get3A_7, %get3A_8, %get3A_9] : memref<1x512x1024xf32, #tpu.memory_space<vmem>>, vector<1x512x1024xf32>
    %get3A_11 = vector.shape_cast %get3A_10 : vector<1x512x1024xf32> to vector<512x1024xf32>
    %slice3A = vector.extract_strided_slice %get3A_1 {offsets = [0, 0], sizes = [512, 128], strides = [1, 1]} : vector<512x1024xf32> to vector<512x128xf32>
    %slice3A_12 = vector.extract_strided_slice %get3A_6 {offsets = [0, 0], sizes = [512, 128], strides = [1, 1]} : vector<512x1024xf32> to vector<512x128xf32>
    %slice3A_13 = vector.extract_strided_slice %get3A_11 {offsets = [0, 0], sizes = [512, 128], strides = [1, 1]} : vector<512x1024xf32> to vector<512x128xf32>
    %dot_general3A = arith.constant dense<0.000000e+00> : vector<512x512xf32>
    %dot_general3A_14 = tpu.matmul %slice3A, %slice3A_12, %dot_general3A {dimension_numbers = #tpu.dot_dimension_numbers<[1], [1], [0], [0], [0, 0, 1, 0], [], []>, transpose_lhs_hint = false} : vector<512x128xf32>, vector<512x128xf32>, vector<512x512xf32> -> vector<512x512xf32>
    %mul3A = arith.constant 0.0883883461 : f32
    %mul3A_15 = vector.broadcast %mul3A : f32 to vector<512x512xf32>
    %mul3A_16 = arith.mulf %dot_general3A_14, %mul3A_15 : vector<512x512xf32>
    %reduce_max3A = arith.constant dense<0xFF800000> : vector<512xf32>
    %reduce_max3A_17 = vector.multi_reduction <maximumf>, %mul3A_16, %reduce_max3A [1] : vector<512x512xf32> to vector<512xf32>
    %broadcast_in_dim3A = vector.shape_cast %reduce_max3A_17 : vector<512xf32> to vector<512x1xf32>
    %sub3A = vector.broadcast %broadcast_in_dim3A : vector<512x1xf32> to vector<512x512xf32>
    %sub3A_18 = arith.subf %mul3A_16, %sub3A : vector<512x512xf32>
    %exp3A = math.exp %sub3A_18 : vector<512x512xf32>
    %reduce_sum3A = arith.constant dense<0.000000e+00> : vector<512xf32>
    %reduce_sum3A_19 = vector.multi_reduction <add>, %exp3A, %reduce_sum3A [1] : vector<512x512xf32> to vector<512xf32>
    %broadcast_in_dim3A_20 = vector.shape_cast %reduce_sum3A_19 : vector<512xf32> to vector<512x1xf32>
    %div3A = vector.broadcast %broadcast_in_dim3A_20 : vector<512x1xf32> to vector<512x512xf32>
    %div3A_21 = arith.divf %exp3A, %div3A : vector<512x512xf32>
    %dot_general3A_22 = arith.constant dense<0.000000e+00> : vector<512x128xf32>
    %dot_general3A_23 = tpu.matmul %div3A_21, %slice3A_13, %dot_general3A_22 {dimension_numbers = #tpu.dot_dimension_numbers<[1], [0], [0], [1], [0, 0, 1, 1], [], []>, transpose_lhs_hint = false} : vector<512x512xf32>, vector<512x128xf32>, vector<512x128xf32> -> vector<512x128xf32>
    %slice3A_24 = vector.extract_strided_slice %get3A_1 {offsets = [0, 128], sizes = [512, 128], strides = [1, 1]} : vector<512x1024xf32> to vector<512x128xf32>
    %slice3A_25 = vector.extract_strided_slice %get3A_6 {offsets = [0, 128], sizes = [512, 128], strides = [1, 1]} : vector<512x1024xf32> to vector<512x128xf32>
    %slice3A_26 = vector.extract_strided_slice %get3A_11 {offsets = [0, 128], sizes = [512, 128], strides = [1, 1]} : vector<512x1024xf32> to vector<512x128xf32>
    %dot_general3A_27 = arith.constant dense<0.000000e+00> : vector<512x512xf32>
    %dot_general3A_28 = tpu.matmul %slice3A_24, %slice3A_25, %dot_general3A_27 {dimension_numbers = #tpu.dot_dimension_numbers<[1], [1], [0], [0], [0, 0, 1, 0], [], []>, transpose_lhs_hint = false} : vector<512x128xf32>, vector<512x128xf32>, vector<512x512xf32> -> vector<512x512xf32>
    %mul3A_29 = arith.constant 0.0883883461 : f32
    %mul3A_30 = vector.broadcast %mul3A_29 : f32 to vector<512x512xf32>
    %mul3A_31 = arith.mulf %dot_general3A_28, %mul3A_30 : vector<512x512xf32>
    %reduce_max3A_32 = arith.constant dense<0xFF800000> : vector<512xf32>
    %reduce_max3A_33 = vector.multi_reduction <maximumf>, %mul3A_31, %reduce_max3A_32 [1] : vector<512x512xf32> to vector<512xf32>
    %broadcast_in_dim3A_34 = vector.shape_cast %reduce_max3A_33 : vector<512xf32> to vector<512x1xf32>
    %sub3A_35 = vector.broadcast %broadcast_in_dim3A_34 : vector<512x1xf32> to vector<512x512xf32>
    %sub3A_36 = arith.subf %mul3A_31, %sub3A_35 : vector<512x512xf32>
    %exp3A_37 = math.exp %sub3A_36 : vector<512x512xf32>
    %reduce_sum3A_38 = arith.constant dense<0.000000e+00> : vector<512xf32>
    %reduce_sum3A_39 = vector.multi_reduction <add>, %exp3A_37, %reduce_sum3A_38 [1] : vector<512x512xf32> to vector<512xf32>
    %broadcast_in_dim3A_40 = vector.shape_cast %reduce_sum3A_39 : vector<512xf32> to vector<512x1xf32>
    %div3A_41 = vector.broadcast %broadcast_in_dim3A_40 : vector<512x1xf32> to vector<512x512xf32>
    %div3A_42 = arith.divf %exp3A_37, %div3A_41 : vector<512x512xf32>
    %dot_general3A_43 = arith.constant dense<0.000000e+00> : vector<512x128xf32>
    %dot_general3A_44 = tpu.matmul %div3A_42, %slice3A_26, %dot_general3A_43 {dimension_numbers = #tpu.dot_dimension_numbers<[1], [0], [0], [1], [0, 0, 1, 1], [], []>, transpose_lhs_hint = false} : vector<512x512xf32>, vector<512x128xf32>, vector<512x128xf32> -> vector<512x128xf32>
    %slice3A_45 = vector.extract_strided_slice %get3A_1 {offsets = [0, 256], sizes = [512, 128], strides = [1, 1]} : vector<512x1024xf32> to vector<512x128xf32>
    %slice3A_46 = vector.extract_strided_slice %get3A_6 {offsets = [0, 256], sizes = [512, 128], strides = [1, 1]} : vector<512x1024xf32> to vector<512x128xf32>
    %slice3A_47 = vector.extract_strided_slice %get3A_11 {offsets = [0, 256], sizes = [512, 128], strides = [1, 1]} : vector<512x1024xf32> to vector<512x128xf32>
    %dot_general3A_48 = arith.constant dense<0.000000e+00> : vector<512x512xf32>
    %dot_general3A_49 = tpu.matmul %slice3A_45, %slice3A_46, %dot_general3A_48 {dimension_numbers = #tpu.dot_dimension_numbers<[1], [1], [0], [0], [0, 0, 1, 0], [], []>, transpose_lhs_hint = false} : vector<512x128xf32>, vector<512x128xf32>, vector<512x512xf32> -> vector<512x512xf32>
    %mul3A_50 = arith.constant 0.0883883461 : f32
    %mul3A_51 = vector.broadcast %mul3A_50 : f32 to vector<512x512xf32>
    %mul3A_52 = arith.mulf %dot_general3A_49, %mul3A_51 : vector<512x512xf32>
    %reduce_max3A_53 = arith.constant dense<0xFF800000> : vector<512xf32>
    %reduce_max3A_54 = vector.multi_reduction <maximumf>, %mul3A_52, %reduce_max3A_53 [1] : vector<512x512xf32> to vector<512xf32>
    %broadcast_in_dim3A_55 = vector.shape_cast %reduce_max3A_54 : vector<512xf32> to vector<512x1xf32>
    %sub3A_56 = vector.broadcast %broadcast_in_dim3A_55 : vector<512x1xf32> to vector<512x512xf32>
    %sub3A_57 = arith.subf %mul3A_52, %sub3A_56 : vector<512x512xf32>
    %exp3A_58 = math.exp %sub3A_57 : vector<512x512xf32>
    %reduce_sum3A_59 = arith.constant dense<0.000000e+00> : vector<512xf32>
    %reduce_sum3A_60 = vector.multi_reduction <add>, %exp3A_58, %reduce_sum3A_59 [1] : vector<512x512xf32> to vector<512xf32>
    %broadcast_in_dim3A_61 = vector.shape_cast %reduce_sum3A_60 : vector<512xf32> to vector<512x1xf32>
    %div3A_62 = vector.broadcast %broadcast_in_dim3A_61 : vector<512x1xf32> to vector<512x512xf32>
    %div3A_63 = arith.divf %exp3A_58, %div3A_62 : vector<512x512xf32>
    %dot_general3A_64 = arith.constant dense<0.000000e+00> : vector<512x128xf32>
    %dot_general3A_65 = tpu.matmul %div3A_63, %slice3A_47, %dot_general3A_64 {dimension_numbers = #tpu.dot_dimension_numbers<[1], [0], [0], [1], [0, 0, 1, 1], [], []>, transpose_lhs_hint = false} : vector<512x512xf32>, vector<512x128xf32>, vector<512x128xf32> -> vector<512x128xf32>
    %slice3A_66 = vector.extract_strided_slice %get3A_1 {offsets = [0, 384], sizes = [512, 128], strides = [1, 1]} : vector<512x1024xf32> to vector<512x128xf32>
    %slice3A_67 = vector.extract_strided_slice %get3A_6 {offsets = [0, 384], sizes = [512, 128], strides = [1, 1]} : vector<512x1024xf32> to vector<512x128xf32>
    %slice3A_68 = vector.extract_strided_slice %get3A_11 {offsets = [0, 384], sizes = [512, 128], strides = [1, 1]} : vector<512x1024xf32> to vector<512x128xf32>
    %dot_general3A_69 = arith.constant dense<0.000000e+00> : vector<512x512xf32>
    %dot_general3A_70 = tpu.matmul %slice3A_66, %slice3A_67, %dot_general3A_69 {dimension_numbers = #tpu.dot_dimension_numbers<[1], [1], [0], [0], [0, 0, 1, 0], [], []>, transpose_lhs_hint = false} : vector<512x128xf32>, vector<512x128xf32>, vector<512x512xf32> -> vector<512x512xf32>
    %mul3A_71 = arith.constant 0.0883883461 : f32
    %mul3A_72 = vector.broadcast %mul3A_71 : f32 to vector<512x512xf32>
    %mul3A_73 = arith.mulf %dot_general3A_70, %mul3A_72 : vector<512x512xf32>
    %reduce_max3A_74 = arith.constant dense<0xFF800000> : vector<512xf32>
    %reduce_max3A_75 = vector.multi_reduction <maximumf>, %mul3A_73, %reduce_max3A_74 [1] : vector<512x512xf32> to vector<512xf32>
    %broadcast_in_dim3A_76 = vector.shape_cast %reduce_max3A_75 : vector<512xf32> to vector<512x1xf32>
    %sub3A_77 = vector.broadcast %broadcast_in_dim3A_76 : vector<512x1xf32> to vector<512x512xf32>
    %sub3A_78 = arith.subf %mul3A_73, %sub3A_77 : vector<512x512xf32>
    %exp3A_79 = math.exp %sub3A_78 : vector<512x512xf32>
    %reduce_sum3A_80 = arith.constant dense<0.000000e+00> : vector<512xf32>
    %reduce_sum3A_81 = vector.multi_reduction <add>, %exp3A_79, %reduce_sum3A_80 [1] : vector<512x512xf32> to vector<512xf32>
    %broadcast_in_dim3A_82 = vector.shape_cast %reduce_sum3A_81 : vector<512xf32> to vector<512x1xf32>
    %div3A_83 = vector.broadcast %broadcast_in_dim3A_82 : vector<512x1xf32> to vector<512x512xf32>
    %div3A_84 = arith.divf %exp3A_79, %div3A_83 : vector<512x512xf32>
    %dot_general3A_85 = arith.constant dense<0.000000e+00> : vector<512x128xf32>
    %dot_general3A_86 = tpu.matmul %div3A_84, %slice3A_68, %dot_general3A_85 {dimension_numbers = #tpu.dot_dimension_numbers<[1], [0], [0], [1], [0, 0, 1, 1], [], []>, transpose_lhs_hint = false} : vector<512x512xf32>, vector<512x128xf32>, vector<512x128xf32> -> vector<512x128xf32>
    %slice3A_87 = vector.extract_strided_slice %get3A_1 {offsets = [0, 512], sizes = [512, 128], strides = [1, 1]} : vector<512x1024xf32> to vector<512x128xf32>
    %slice3A_88 = vector.extract_strided_slice %get3A_6 {offsets = [0, 512], sizes = [512, 128], strides = [1, 1]} : vector<512x1024xf32> to vector<512x128xf32>
    %slice3A_89 = vector.extract_strided_slice %get3A_11 {offsets = [0, 512], sizes = [512, 128], strides = [1, 1]} : vector<512x1024xf32> to vector<512x128xf32>
    %dot_general3A_90 = arith.constant dense<0.000000e+00> : vector<512x512xf32>
    %dot_general3A_91 = tpu.matmul %slice3A_87, %slice3A_88, %dot_general3A_90 {dimension_numbers = #tpu.dot_dimension_numbers<[1], [1], [0], [0], [0, 0, 1, 0], [], []>, transpose_lhs_hint = false} : vector<512x128xf32>, vector<512x128xf32>, vector<512x512xf32> -> vector<512x512xf32>
    %mul3A_92 = arith.constant 0.0883883461 : f32
    %mul3A_93 = vector.broadcast %mul3A_92 : f32 to vector<512x512xf32>
    %mul3A_94 = arith.mulf %dot_general3A_91, %mul3A_93 : vector<512x512xf32>
    %reduce_max3A_95 = arith.constant dense<0xFF800000> : vector<512xf32>
    %reduce_max3A_96 = vector.multi_reduction <maximumf>, %mul3A_94, %reduce_max3A_95 [1] : vector<512x512xf32> to vector<512xf32>
    %broadcast_in_dim3A_97 = vector.shape_cast %reduce_max3A_96 : vector<512xf32> to vector<512x1xf32>
    %sub3A_98 = vector.broadcast %broadcast_in_dim3A_97 : vector<512x1xf32> to vector<512x512xf32>
    %sub3A_99 = arith.subf %mul3A_94, %sub3A_98 : vector<512x512xf32>
    %exp3A_100 = math.exp %sub3A_99 : vector<512x512xf32>
    %reduce_sum3A_101 = arith.constant dense<0.000000e+00> : vector<512xf32>
    %reduce_sum3A_102 = vector.multi_reduction <add>, %exp3A_100, %reduce_sum3A_101 [1] : vector<512x512xf32> to vector<512xf32>
    %broadcast_in_dim3A_103 = vector.shape_cast %reduce_sum3A_102 : vector<512xf32> to vector<512x1xf32>
    %div3A_104 = vector.broadcast %broadcast_in_dim3A_103 : vector<512x1xf32> to vector<512x512xf32>
    %div3A_105 = arith.divf %exp3A_100, %div3A_104 : vector<512x512xf32>
    %dot_general3A_106 = arith.constant dense<0.000000e+00> : vector<512x128xf32>
    %dot_general3A_107 = tpu.matmul %div3A_105, %slice3A_89, %dot_general3A_106 {dimension_numbers = #tpu.dot_dimension_numbers<[1], [0], [0], [1], [0, 0, 1, 1], [], []>, transpose_lhs_hint = false} : vector<512x512xf32>, vector<512x128xf32>, vector<512x128xf32> -> vector<512x128xf32>
    %slice3A_108 = vector.extract_strided_slice %get3A_1 {offsets = [0, 640], sizes = [512, 128], strides = [1, 1]} : vector<512x1024xf32> to vector<512x128xf32>
    %slice3A_109 = vector.extract_strided_slice %get3A_6 {offsets = [0, 640], sizes = [512, 128], strides = [1, 1]} : vector<512x1024xf32> to vector<512x128xf32>
    %slice3A_110 = vector.extract_strided_slice %get3A_11 {offsets = [0, 640], sizes = [512, 128], strides = [1, 1]} : vector<512x1024xf32> to vector<512x128xf32>
    %dot_general3A_111 = arith.constant dense<0.000000e+00> : vector<512x512xf32>
    %dot_general3A_112 = tpu.matmul %slice3A_108, %slice3A_109, %dot_general3A_111 {dimension_numbers = #tpu.dot_dimension_numbers<[1], [1], [0], [0], [0, 0, 1, 0], [], []>, transpose_lhs_hint = false} : vector<512x128xf32>, vector<512x128xf32>, vector<512x512xf32> -> vector<512x512xf32>
    %mul3A_113 = arith.constant 0.0883883461 : f32
    %mul3A_114 = vector.broadcast %mul3A_113 : f32 to vector<512x512xf32>
    %mul3A_115 = arith.mulf %dot_general3A_112, %mul3A_114 : vector<512x512xf32>
    %reduce_max3A_116 = arith.constant dense<0xFF800000> : vector<512xf32>
    %reduce_max3A_117 = vector.multi_reduction <maximumf>, %mul3A_115, %reduce_max3A_116 [1] : vector<512x512xf32> to vector<512xf32>
    %broadcast_in_dim3A_118 = vector.shape_cast %reduce_max3A_117 : vector<512xf32> to vector<512x1xf32>
    %sub3A_119 = vector.broadcast %broadcast_in_dim3A_118 : vector<512x1xf32> to vector<512x512xf32>
    %sub3A_120 = arith.subf %mul3A_115, %sub3A_119 : vector<512x512xf32>
    %exp3A_121 = math.exp %sub3A_120 : vector<512x512xf32>
    %reduce_sum3A_122 = arith.constant dense<0.000000e+00> : vector<512xf32>
    %reduce_sum3A_123 = vector.multi_reduction <add>, %exp3A_121, %reduce_sum3A_122 [1] : vector<512x512xf32> to vector<512xf32>
    %broadcast_in_dim3A_124 = vector.shape_cast %reduce_sum3A_123 : vector<512xf32> to vector<512x1xf32>
    %div3A_125 = vector.broadcast %broadcast_in_dim3A_124 : vector<512x1xf32> to vector<512x512xf32>
    %div3A_126 = arith.divf %exp3A_121, %div3A_125 : vector<512x512xf32>
    %dot_general3A_127 = arith.constant dense<0.000000e+00> : vector<512x128xf32>
    %dot_general3A_128 = tpu.matmul %div3A_126, %slice3A_110, %dot_general3A_127 {dimension_numbers = #tpu.dot_dimension_numbers<[1], [0], [0], [1], [0, 0, 1, 1], [], []>, transpose_lhs_hint = false} : vector<512x512xf32>, vector<512x128xf32>, vector<512x128xf32> -> vector<512x128xf32>
    %slice3A_129 = vector.extract_strided_slice %get3A_1 {offsets = [0, 768], sizes = [512, 128], strides = [1, 1]} : vector<512x1024xf32> to vector<512x128xf32>
    %slice3A_130 = vector.extract_strided_slice %get3A_6 {offsets = [0, 768], sizes = [512, 128], strides = [1, 1]} : vector<512x1024xf32> to vector<512x128xf32>
    %slice3A_131 = vector.extract_strided_slice %get3A_11 {offsets = [0, 768], sizes = [512, 128], strides = [1, 1]} : vector<512x1024xf32> to vector<512x128xf32>
    %dot_general3A_132 = arith.constant dense<0.000000e+00> : vector<512x512xf32>
    %dot_general3A_133 = tpu.matmul %slice3A_129, %slice3A_130, %dot_general3A_132 {dimension_numbers = #tpu.dot_dimension_numbers<[1], [1], [0], [0], [0, 0, 1, 0], [], []>, transpose_lhs_hint = false} : vector<512x128xf32>, vector<512x128xf32>, vector<512x512xf32> -> vector<512x512xf32>
    %mul3A_134 = arith.constant 0.0883883461 : f32
    %mul3A_135 = vector.broadcast %mul3A_134 : f32 to vector<512x512xf32>
    %mul3A_136 = arith.mulf %dot_general3A_133, %mul3A_135 : vector<512x512xf32>
    %reduce_max3A_137 = arith.constant dense<0xFF800000> : vector<512xf32>
    %reduce_max3A_138 = vector.multi_reduction <maximumf>, %mul3A_136, %reduce_max3A_137 [1] : vector<512x512xf32> to vector<512xf32>
    %broadcast_in_dim3A_139 = vector.shape_cast %reduce_max3A_138 : vector<512xf32> to vector<512x1xf32>
    %sub3A_140 = vector.broadcast %broadcast_in_dim3A_139 : vector<512x1xf32> to vector<512x512xf32>
    %sub3A_141 = arith.subf %mul3A_136, %sub3A_140 : vector<512x512xf32>
    %exp3A_142 = math.exp %sub3A_141 : vector<512x512xf32>
    %reduce_sum3A_143 = arith.constant dense<0.000000e+00> : vector<512xf32>
    %reduce_sum3A_144 = vector.multi_reduction <add>, %exp3A_142, %reduce_sum3A_143 [1] : vector<512x512xf32> to vector<512xf32>
    %broadcast_in_dim3A_145 = vector.shape_cast %reduce_sum3A_144 : vector<512xf32> to vector<512x1xf32>
    %div3A_146 = vector.broadcast %broadcast_in_dim3A_145 : vector<512x1xf32> to vector<512x512xf32>
    %div3A_147 = arith.divf %exp3A_142, %div3A_146 : vector<512x512xf32>
    %dot_general3A_148 = arith.constant dense<0.000000e+00> : vector<512x128xf32>
    %dot_general3A_149 = tpu.matmul %div3A_147, %slice3A_131, %dot_general3A_148 {dimension_numbers = #tpu.dot_dimension_numbers<[1], [0], [0], [1], [0, 0, 1, 1], [], []>, transpose_lhs_hint = false} : vector<512x512xf32>, vector<512x128xf32>, vector<512x128xf32> -> vector<512x128xf32>
    %slice3A_150 = vector.extract_strided_slice %get3A_1 {offsets = [0, 896], sizes = [512, 128], strides = [1, 1]} : vector<512x1024xf32> to vector<512x128xf32>
    %slice3A_151 = vector.extract_strided_slice %get3A_6 {offsets = [0, 896], sizes = [512, 128], strides = [1, 1]} : vector<512x1024xf32> to vector<512x128xf32>
    %slice3A_152 = vector.extract_strided_slice %get3A_11 {offsets = [0, 896], sizes = [512, 128], strides = [1, 1]} : vector<512x1024xf32> to vector<512x128xf32>
    %dot_general3A_153 = arith.constant dense<0.000000e+00> : vector<512x512xf32>
    %dot_general3A_154 = tpu.matmul %slice3A_150, %slice3A_151, %dot_general3A_153 {dimension_numbers = #tpu.dot_dimension_numbers<[1], [1], [0], [0], [0, 0, 1, 0], [], []>, transpose_lhs_hint = false} : vector<512x128xf32>, vector<512x128xf32>, vector<512x512xf32> -> vector<512x512xf32>
    %mul3A_155 = arith.constant 0.0883883461 : f32
    %mul3A_156 = vector.broadcast %mul3A_155 : f32 to vector<512x512xf32>
    %mul3A_157 = arith.mulf %dot_general3A_154, %mul3A_156 : vector<512x512xf32>
    %reduce_max3A_158 = arith.constant dense<0xFF800000> : vector<512xf32>
    %reduce_max3A_159 = vector.multi_reduction <maximumf>, %mul3A_157, %reduce_max3A_158 [1] : vector<512x512xf32> to vector<512xf32>
    %broadcast_in_dim3A_160 = vector.shape_cast %reduce_max3A_159 : vector<512xf32> to vector<512x1xf32>
    %sub3A_161 = vector.broadcast %broadcast_in_dim3A_160 : vector<512x1xf32> to vector<512x512xf32>
    %sub3A_162 = arith.subf %mul3A_157, %sub3A_161 : vector<512x512xf32>
    %exp3A_163 = math.exp %sub3A_162 : vector<512x512xf32>
    %reduce_sum3A_164 = arith.constant dense<0.000000e+00> : vector<512xf32>
    %reduce_sum3A_165 = vector.multi_reduction <add>, %exp3A_163, %reduce_sum3A_164 [1] : vector<512x512xf32> to vector<512xf32>
    %broadcast_in_dim3A_166 = vector.shape_cast %reduce_sum3A_165 : vector<512xf32> to vector<512x1xf32>
    %div3A_167 = vector.broadcast %broadcast_in_dim3A_166 : vector<512x1xf32> to vector<512x512xf32>
    %div3A_168 = arith.divf %exp3A_163, %div3A_167 : vector<512x512xf32>
    %dot_general3A_169 = arith.constant dense<0.000000e+00> : vector<512x128xf32>
    %dot_general3A_170 = tpu.matmul %div3A_168, %slice3A_152, %dot_general3A_169 {dimension_numbers = #tpu.dot_dimension_numbers<[1], [0], [0], [1], [0, 0, 1, 1], [], []>, transpose_lhs_hint = false} : vector<512x512xf32>, vector<512x128xf32>, vector<512x128xf32> -> vector<512x128xf32>
    %concatenate3A = tpu.concatenate %dot_general3A_23, %dot_general3A_44, %dot_general3A_65, %dot_general3A_86, %dot_general3A_107, %dot_general3A_128, %dot_general3A_149, %dot_general3A_170 in 1 : vector<512x128xf32>, vector<512x128xf32>, vector<512x128xf32>, vector<512x128xf32>, vector<512x128xf32>, vector<512x128xf32>, vector<512x128xf32>, vector<512x128xf32> -> vector<512x1024xf32>
    %get3A_171 = arith.constant 0 : index
    %get3A_172 = arith.constant 0 : index
    %get3A_173 = vector.load %arg5[%get3A_171, %get3A_172] : memref<1024x1024xf32, #tpu.memory_space<vmem>>, vector<1024x1024xf32>
    %dot_general3A_174 = arith.constant dense<0.000000e+00> : vector<512x1024xf32>
    %dot_general3A_175 = tpu.matmul %concatenate3A, %get3A_173, %dot_general3A_174 {dimension_numbers = #tpu.dot_dimension_numbers<[1], [0], [0], [1], [0, 0, 1, 1], [], []>, transpose_lhs_hint = false} : vector<512x1024xf32>, vector<1024x1024xf32>, vector<512x1024xf32> -> vector<512x1024xf32>
    %get3A_176 = arith.constant 0 : index
    %get3A_177 = arith.constant 0 : index
    %get3A_178 = vector.load %arg6[%get3A_176, %get3A_177] : memref<1x1024xf32, #tpu.memory_space<vmem>>, vector<1x1024xf32>
    %add3A = vector.broadcast %get3A_178 : vector<1x1024xf32> to vector<512x1024xf32>
    %add3A_179 = arith.addf %dot_general3A_175, %add3A : vector<512x1024xf32>
    %broadcast_in_dim3A_180 = vector.shape_cast %add3A_179 : vector<512x1024xf32> to vector<1x512x1024xf32>
    %swap3A = arith.constant 0 : index
    %swap3A_181 = arith.constant 0 : index
    %swap3A_182 = arith.constant 0 : index
    %swap3A_183 = vector.load %arg7[%swap3A, %swap3A_181, %swap3A_182] : memref<1x512x1024xf32, #tpu.memory_space<vmem>>, vector<1x512x1024xf32>
    tpu.vector_store %arg7[%swap3A, %swap3A_181, %swap3A_182], %broadcast_in_dim3A_180 {strides = array<i32>} : memref<1x512x1024xf32, #tpu.memory_space<vmem>>, vector<1x512x1024xf32>,
    return
  }
  func.func @transform_0(%arg0: i32, %arg1: i32) -> (i32, i32) {
    %c0_i32 = arith.constant 0 : i32
    %c0_i32_0 = arith.constant 0 : i32
    return %arg1, %c0_i32 : i32, i32
  }
  func.func @transform_1(%arg0: i32, %arg1: i32) -> (i32, i32, i32) {
    %c0_i32 = arith.constant 0 : i32
    %c0_i32_0 = arith.constant 0 : i32
    %c0_i32_1 = arith.constant 0 : i32
    return %arg0, %c0_i32, %c0_i32_0 : i32, i32, i32
  }
  func.func @transform_2(%arg0: i32, %arg1: i32) -> (i32, i32, i32) {
    %c0_i32 = arith.constant 0 : i32
    %c0_i32_0 = arith.constant 0 : i32
    %c0_i32_1 = arith.constant 0 : i32
    return %arg0, %c0_i32, %c0_i32_0 : i32, i32, i32
  }
  func.func @transform_3(%arg0: i32, %arg1: i32) -> (i32, i32) {
    %c0_i32 = arith.constant 0 : i32
    %c0_i32_0 = arith.constant 0 : i32
    %c0_i32_1 = arith.constant 0 : i32
    return %c0_i32, %c0_i32_0 : i32, i32
  }
  func.func @transform_4(%arg0: i32, %arg1: i32) -> (i32, i32) {
    %c0_i32 = arith.constant 0 : i32
    %c0_i32_0 = arith.constant 0 : i32
    %c0_i32_1 = arith.constant 0 : i32
    return %c0_i32, %c0_i32_0 : i32, i32
  }
  func.func @transform_5(%arg0: i32, %arg1: i32) -> (i32, i32, i32) {
    %c0_i32 = arith.constant 0 : i32
    %c0_i32_0 = arith.constant 0 : i32
    return %arg0, %arg1, %c0_i32 : i32, i32, i32
  }
}

</mosaic_0001>

<sc_bundles>
// kernel: kernel.11.cloned.1.call-start
scs
__scs_entry_jumppad:
0x0: {  	(pc) =	sbr.rel $0x88, $3  }
0x1: {  	(tag) =	ssettag $0x0;
	lr =	simm.s32 $0x1  }
0x2: {  	[smem:$0x3F8D] =	sst lr;
	_ =	strace $0xD0000000  }
0x3: {  	_ = 	snop  }
0x4: {  	_ = 	snop  }
0x5: {  	_ = 	snop  }
0x6: {  	_ = 	snop  }
0x7: {  	_ = 	snop  }
__scs_overlays_trampoline_lowered:
0x8: {  	[smem:$0x3F9C] =	sst s0  }
0x9: {  	[smem:$0x3F9D] =	sst s1  }
0xa: {  	[smem:$0x3F9E] =	sst s2  }
0xb: {  	[smem:$0x3F9F] =	sst s3  }
0xc: {  	[smem:$0x3FA0] =	sst s4  }
0xd: {  	[smem:$0x3FA1] =	sst s5  }
0xe: {  	[smem:$0x3FA2] =	sst s6  }
0xf: {  	[smem:$0x3FA3] =	sst s7  }
0x10: {  	[smem:$0x3FA4] =	sst s8  }
0x11: {  	[smem:$0x3FA5] =	sst s9;
	s0 =	simm.s32 @!p0 $0x0  }
0x12: {  	s1 =	sld [smem:$0x3F8B];
	s0 =	simm.s32 @p0 $0x1  }
0x13: {  	[smem:$0x3FA6] =	sst s0;
	s0 =	simm.s32 @!p1 $0x0  }
0x14: {  	s2 =	sld [smem:$0x3F8A];
	s0 =	simm.s32 @p1 $0x1  }
0x15: {  	[smem:$0x3FA7] =	sst s0;
	s0 =	simm.s32 @!p2 $0x0  }
0x16: {  	s3 =	sld [smem:$0x3FDB];
	s0 =	simm.s32 @p2 $0x1  }
0x17: {  	s4 =	simm.s32 $0x1BF5;
	[smem:$0x3FA9] =	sst s0  }
0x18: {  	s0 =	sld [smem:$0x3F8C];
	_ =	swait.ge [sflag:s4], $0x0  }
0x19: {  	s7 =	sld [smem:$0x3F8D]  }
0x1a: {  	s8 =	sadd.s32 $0xFFFFE003, lr  }
0x1b: {  	s9 =	sadd.s32 $0xFFFFFEF7, lr;
	s5 =	simm.s32 $0xFFFFFFFF;
	p2 =	slt.u32 s8, $0xFFFFF086  }
0x1c: {  	p1 =	slt.u32 s9, $0xF7A;
	s5 =	simm.s32 @!p2 $0x0  }
0x1d: {  	s5 =	simm.s32 @p1 $0x1;
	p0 =	seq.s32 s7, s2  }
0x1e: {  	s7 =	smul.u32 @!p0 $0xF7A, s2;
	p2 =	seq.s32 @!p0 s5, $0x0  }
0x1f: {  	s9 =	smul.u32 $0xF7A, s1;
	s8 =	simm.s32 @!p0 $0x1BF5;
	p2 =	por !p2, p0  }
0x20: {  	[sflag:s8] =	ssyncset.s32 @!p0 $0xFFFFF086;
	s6 =	sadd.s32 @!p0 s3, s7;
	s7 =	simm.s32 @!p0 $0x108  }
0x21: {  	s3 =	sadd.s32 s3, s9;
	s6 =	sadd.s32 @!p0 $0x88, s6;
	s7 =	simm.s32 @p2 $0x1082  }
0x22: {  	[simem:s7], [sflag:s8] =	dma.local @!p0 [hbm:s6], $0xF7A  }
0x23: {  	s9 =	sor.u32 $0xD0000000, s2;
	s6 =	simm.s32 $0x108;
	_ =	swait.ge @!p0 [sflag:s8], $0x0  }
0x24: {  	s3 =	sadd.s32 $0x88, s3;
	s6 =	simm.s32 @!p1 $0x1082;
	[sflag:s4] =	ssyncset.s32 $0xFFFFF086  }
0x25: {  	[simem:s6], [sflag:s4] =	dma.local [hbm:s3], $0xF7A  }
0x26: {  	[smem:$0x3F8D] =	sst s1;
	(tag) =	ssettag s2;
	_ =	strace s9  }
0x27: {  	s1 =	sld [smem:$0x3F9D]  }
0x28: {  	s2 =	sld [smem:$0x3F9E]  }
0x29: {  	s4 =	sld [smem:$0x3FA0]  }
0x2a: {  	p0 =	seq.s32 s5, $0x0;
	s5 =	sld [smem:$0x3FA1]  }
0x2b: {  	s6 =	sld [smem:$0x3FA2]  }
0x2c: {  	s7 =	sld [smem:$0x3FA3]  }
0x2d: {  	s3 =	simm.s32 $0x108;
	s8 =	sld [smem:$0x3FA4]  }
0x2e: {  	s3 =	simm.s32 @!p0 $0x1082;
	s9 =	sld [smem:$0x3FA5]  }
0x2f: {  	lr =	sadd.s32 s0, s3;
	s0 =	sld [smem:$0x3F9C]  }
0x30: {  	s3 =	sld [smem:$0x3F9F]  }
0x31: {  	[smem:$0x3FA8] =	sst s10  }
0x32: {  	s10 =	sld [smem:$0x3FA6];
	_ =	sdelay $0x3  }
0x33: {  	p0 =	seq.s32 s10, $0x1;
	s10 =	sld [smem:$0x3FA8];
	_ =	sdelay $0x3  }
0x34: {  	[smem:$0x3FA8] =	sst s10  }
0x35: {  	s10 =	sld [smem:$0x3FA7];
	_ =	sdelay $0x3  }
0x36: {  	p1 =	seq.s32 s10, $0x1;
	s10 =	sld [smem:$0x3FA8];
	_ =	sdelay $0x3  }
0x37: {  	[smem:$0x3FA8] =	sst s10  }
0x38: {  	s10 =	sld [smem:$0x3FA9]  }
0x39: {  	_ = 	snop;
	(pc) =	sbr.ind lr, $3  }
0x3a: {  	_ = 	snop  }
0x3b: {  	_ = 	snop  }
0x3c: {  	p2 =	seq.s32 s10, $0x1;
	s10 =	sld [smem:$0x3FA8]  }
0x3d: {  	_ =	shalt  }
0x3e: {  	_ =	shalt  }
0x3f: {  	_ =	shalt  }
0x40: {  	_ =	shalt  }
0x41: {  	_ =	shalt  }
0x42: {  	_ =	shalt  }
0x43: {  	_ =	shalt  }
0x44: {  	_ =	shalt  }
0x45: {  	_ =	shalt  }
0x46: {  	_ =	shalt  }
0x47: {  	_ =	shalt  }
0x48: {  	_ =	shalt  }
0x49: {  	_ =	shalt  }
0x4a: {  	_ =	shalt  }
0x4b: {  	_ =	shalt  }
0x4c: {  	_ =	shalt  }
0x4d: {  	_ =	shalt  }
0x4e: {  	_ =	shalt  }
0x4f: {  	_ =	shalt  }
0x50: {  	_ =	shalt  }
0x51: {  	_ =	shalt  }
0x52: {  	_ =	shalt  }
0x53: {  	_ =	shalt  }
0x54: {  	_ =	shalt  }
0x55: {  	_ =	shalt  }
0x56: {  	_ =	shalt  }
0x57: {  	_ =	shalt  }
0x58: {  	_ =	shalt  }
0x59: {  	_ =	shalt  }
0x5a: {  	_ =	shalt  }
0x5b: {  	_ =	shalt  }
0x5c: {  	_ =	shalt  }
0x5d: {  	_ =	shalt  }
0x5e: {  	_ =	shalt  }
0x5f: {  	_ =	shalt  }
0x60: {  	_ =	shalt  }
0x61: {  	_ =	shalt  }
0x62: {  	_ =	shalt  }
0x63: {  	_ =	shalt  }
0x64: {  	_ =	shalt  }
0x65: {  	_ =	shalt  }
0x66: {  	_ =	shalt  }
0x67: {  	_ =	shalt  }
0x68: {  	_ =	shalt  }
0x69: {  	_ =	shalt  }
0x6a: {  	_ =	shalt  }
0x6b: {  	_ =	shalt  }
0x6c: {  	_ =	shalt  }
0x6d: {  	_ =	shalt  }
0x6e: {  	_ =	shalt  }
0x6f: {  	_ =	shalt  }
0x70: {  	_ =	shalt  }
0x71: {  	_ =	shalt  }
0x72: {  	_ =	shalt  }
0x73: {  	_ =	shalt  }
0x74: {  	_ =	shalt  }
0x75: {  	_ =	shalt  }
0x76: {  	_ =	shalt  }
0x77: {  	_ =	shalt  }
0x78: {  	_ =	shalt  }
0x79: {  	_ =	shalt  }
0x7a: {  	_ =	shalt  }
0x7b: {  	_ =	shalt  }
0x7c: {  	_ =	shalt  }
0x7d: {  	_ =	shalt  }
0x7e: {  	_ =	shalt  }
0x7f: {  	_ =	shalt  }
0x80: {  	_ =	shalt  }
0x81: {  	_ =	shalt  }
0x82: {  	_ =	shalt  }
0x83: {  	_ =	shalt  }
0x84: {  	_ =	shalt  }
0x85: {  	_ =	shalt  }
0x86: {  	_ =	shalt  }
0x87: {  	_ =	shalt  }
.Lfunc_end0:
.L_simem_size_0:
called_computation_lowered:
.L_overlay_start_0:
0x88: {  	s2 =	sld [smem:$0x3FD9]  }
0x89: {  	s3 =	sld [smem:$0x3FFE];
	_ =	sdelay $0x1  }
0x8a: {  	s1 =	srdreg.scid  }
0x8b: {  	s0 =	sand.u32 $0x1, s1  }
0x8c: {  	s14 =	sshll.u32 s0, $0xA;
	s2 =	sadd.s32 s3, s2  }
0x8d: {  	s2 =	sadd.s32 s2, s14  }
0x8e: {  	[smem:$0x3FB4] =	sst s2  }
0x8f: {  	_ = 	snop  }
0x90: {  	s2 =	sld [smem:$0x3FD0];
	_ =	sdelay $0x2  }
0x91: {  	s15 =	simm.s32 $0xA;
	s4 =	simm.s32 $0x10  }
0x92: {  	[smem:s4], [sflag:s15] =	dma.local [hbm:s2], $0x1  }
0x93: {  	_ =	swait.eq [sflag:s15], $0x1  }
0x94: {  	[sflag:s15] =	ssyncset.done $0x0  }
0x95: {  	s16 =	sld [smem:$0x10];
	[sflag:s15] =	ssyncadd.s32 $0xFFFFFFFF  }
0x96: {  	s17 =	sld [smem:$0x11];
	(tm) =	ssettm $0x1  }
0x97: {  	s18 =	sld [smem:$0x3FFB];
	_ =	sdelay $0x3  }
0x98: {  	_ =	strace s18  }
0x99: {  	s4 =	sld [smem:$0x3FFC];
	_ =	sdelay $0x3  }
0x9a: {  	_ =	strace s4  }
0x9b: {  	s4 =	sld [smem:$0x3FFD];
	_ =	sdelay $0x3  }
0x9c: {  	_ =	strace s4  }
0x9d: {  	_ =	strace $0x8FFFFFFF  }
0x9e: {  	s19 =	sld [smem:$0x3FDB];
	_ =	sdelay $0x1  }
0x9f: {  	s5 =	simm.s32 $_scs_section_size  }
0xa0: {  	s6 =	simm.s32 $_size__tile_overlayer_lowered;
	s7 =	simm.s32 $_tile_overlayer_lowered  }
0xa1: {  	s22 =	simm.s32 $0x1BFF;
	s21 =	sshll.u32 s7, $0x1;
	s4 =	sadd.s32 s5, s19  }
0xa2: {  	s8 =	simm.s32 $0x0;
	s20 =	sshll.u32 s6, $0x1;
	s6 =	sadd.s32 s21, s4  }
0xa3: {  	[timem:s8], [sflag:s22] =	dma.local [hbm:s6], s20  }
0xa4: {  	_ =	swait.ge [sflag:s22], s20  }
0xa5: {  	s5 =	ssub.s32 $0x0, s20;
	[sflag:s22] =	ssyncset.done $0x0  }
0xa6: {  	[sflag:s22] =	ssyncadd.s32 s5;
	_ =	sdelay $0x1  }
0xa7: {  	s23 =	simm.s32 $0x1B8B  }
0xa8: {  	_ =	swait.ge [sflag:s23], $0x1  }
0xa9: {  	[sflag:s23] =	ssyncset.done $0x0  }
0xaa: {  	s25 =	simm.s32 $0x1B8E;
	s24 =	sld [smem:$0x3FFE];
	[sflag:s23] =	ssyncadd.s32 $0xFFFFFFFF  }
0xab: {  	s26 =	simm.s32 $execute0_lowered;
	[smem:$0x3FD2] =	sst s25  }
0xac: {  	s6 =	sshll.u32 s26, $0x1;
	_ =	strace $0x80000046;
	[dreg:$0x1] =	wrdreg $0xFFFFFFFF  }
0xad: {  	s28 =	simm.s32 $_size_execute0_lowered;
	s4 =	sadd.s32 s4, s6;
	[dreg:$0x0] =	wrdreg $0x0  }
0xae: {  	s6 =	sshll.u32 s28, $0x1;
	[dreg:$0x2] =	wrdreg s4  }
0xaf: {  	[dreg:$0x3] =	wrdreg s6  }
0xb0: {  	[dreg:$0x4] =	wrdreg $0xC0  }
0xb1: {  	_ =	task [dreg:s8], $0x5FFFF  }
0xb2: {  	[dreg:$0x1] =	wrdreg $0xFFFFFFFF  }
0xb3: {  	[dreg:$0x0] =	wrdreg $0x60  }
0xb4: {  	[dreg:$0x2] =	wrdreg s16  }
0xb5: {  	[dreg:$0x3] =	wrdreg s17  }
0xb6: {  	[dreg:$0x4] =	wrdreg s24  }
0xb7: {  	[dreg:$0x5] =	wrdreg $0x9  }
0xb8: {  	_ =	task.clear_ibuf [dreg:s8], $0x6FFFF;
	_ =	strace $0x90000046  }
0xb9: {  	s29 =	simm.s32 $0x9;
	_ =	strace $0x80000048  }
0xba: {  	_ =	swait.ge [sflag:s29], $0x1  }
0xbb: {  	[sflag:s29] =	ssyncadd.s32 $0xFFFFFFFF  }
0xbc: {  	_ =	strace $0x90000048  }
0xbd: {  	_ =	sfence  }
0xbe: {  	s30 =	sld [smem:$0x0];
	_ =	sdelay $0x2  }
0xbf: {  	s31 =	sshll.u32 s1, $0xD;
	s1 =	sshrl.u32 s1, $0x2  }
0xc0: {  	s3 =	sand.u32 $0x4000, s31;
	s1 =	sadd.s32 s1, s30  }
0xc1: {  	s0 =	sor.u32 s3, s0;
	s1 =	sshll.u32 s1, $0x11  }
0xc2: {  	s0 =	sor.u32 s1, s0  }
0xc3: {  	s0 =	sadd.s32 $0x8F2B, s0  }
0xc4: {  	[sflag:s0] =	ssyncadd.remote.s32 $0x1  }
0xc5: {  	_ =	sfence.sel $0xFFFF  }
0xc6: {  	[dreg:$0x0] =	wrdreg $0xFFFFFFFF;
	(pc) =	sbr.abs _section_cstart, $3  }
0xc7: {  	[dreg:$0x1] =	wrdreg $0xFFFFFFFF  }
0xc8: {  	_ =	task.clear_ibuf [dreg:s8], $0x2FFFF;
	_ =	strace $0x9FFFFFFF  }
0xc9: {  	(tm) =	ssettm $0x7FFFFFFF  }
tec
execute0_lowered:
.L_overlay_start_1:
0x0: {  	(tag) =	ssettag $0x1  }
0x1: {  	s0 =	rddreg [dreg:$0x0]  }
0x2: {  	s1 =	rddreg [dreg:$0x1]  }
0x3: {  	s7 =	rddreg [dreg:$0x2];
	s2 =	simm.s32 $0x0;
	s3 =	srdreg.scid  }
0x4: {  	s5 =	stileid.u32;
	[smem:$0x7FF] =	sst s2;
	s4 =	sand.u32 $0x1, s3  }
0x5: {  	s8 =	sadd.s32 $0x4000, s7;
	s5 =	sshll.u32 s5, $0x9;
	s3 =	sadd.s32 $0x4400, s7  }
0x6: {  	s12 =	sadd.s32 $0x104400, s7;
	_ =	strace $0x80000047;
	s6 =	sshll.u32 s4, $0x8  }
0x7: {  	s9 =	ssub.s32 $0x2, s4;
	[dreg:$0x10] =	wrdreg s12;
	s5 =	sor.u32 s6, s5  }
0x8: {  	s13 =	sshrl.u32 s9, $0x1;
	s6 =	sadd.s32 $0x4600, s7;
	s10 =	sshrl.u32 s5, $0x3  }
0x9: {  	s9 =	ssub.s32 s9, s13;
	s15 =	sshll.u32 s5, $0x7;
	s17 =	sor.u32 $0x40, s5  }
0xa: {  	s22 =	sor.u32 $0x80, s5;
	s5 =	sor.u32 $0xC0, s5;
	s14 =	sadd.s32 s1, s10  }
0xb: {  	s16 =	sadd.s32 s0, s15;
	s18 =	sadd.s32 s8, s10;
	[dreg:$0x4] =	wrdreg s14  }
0xc: {  	s19 =	sshrl.u32 s17, $0x3;
	s4 =	sshll.u32 s17, $0x7;
	[dreg:$0x5] =	wrdreg s16  }
0xd: {  	s24 =	sshrl.u32 s22, $0x3;
	[dreg:$0x6] =	wrdreg s18;
	s20 =	sadd.s32 s1, s19  }
0xe: {  	s29 =	sshrl.u32 s5, $0x3;
	s21 =	sadd.s32 s0, s4;
	[dreg:$0x7] =	wrdreg s20  }
0xf: {  	s30 =	sshll.u32 s5, $0x7;
	s23 =	sadd.s32 s8, s19;
	[dreg:$0x8] =	wrdreg s21  }
0x10: {  	s5 =	sadd.s32 $0x4500, s7;
	s25 =	sadd.s32 s1, s24;
	[dreg:$0x9] =	wrdreg s23  }
0x11: {  	s7 =	sadd.s32 $0x4700, s7;
	s28 =	sadd.s32 s8, s24;
	[dreg:$0xa] =	wrdreg s25  }
0x12: {  	s10 =	simm.s32 $0x100;
	s1 =	sadd.s32 s1, s29;
	[dreg:$0xc] =	wrdreg s28  }
0x13: {  	s4 =	sshll.u32 s22, $0x7;
	s31 =	sadd.s32 s8, s29;
	[dreg:$0xd] =	wrdreg s1  }
0x14: {  	v2 =	vlaneseq.u32;
	s8 =	smax.u32 s9, $0x1;
	s26 =	sadd.s32 s0, s4;
	[dreg:$0xf] =	wrdreg s31  }
0x15: {  	vm0 =	vmmov $0xffff;
	v1 =	vshrl.u32 v2, $0x3;
	s9 =	simm.s32 $0x2;
	s0 =	sadd.s32 s0, s30;
	[dreg:$0xb] =	wrdreg s26  }
0x16: {  	v0 =	vand.u32 $0x7, v2;
	v2 =	vor.u32 $0x8, v2;
	v1 =	vmul.u32 $0x8, v1;
	s20 =	simm.s32 $0x1;
	s21 =	simm.s32 $0x80;
	[dreg:$0xe] =	wrdreg s0  }
.LBB2_1:
0x17: {  	s23 =	rddreg [dreg:$0x4]  }
0x18: {  	[tilespmem:s2], [sflag:$0x2] =	stream.linear.gather [hbm4b:s23+s2], $0x40, $0x38;
	[tilespmem:$0x10100] =	vst v63  }
0x19: {  	_ =	swait.ge [sflag:s9], $0x40  }
0x1a: {  	[sflag:s9] =	ssyncset.done $0x0  }
0x1b: {  	s24 =	rddreg [dreg:$0x5];
	[sflag:s9] =	ssyncadd.s32 $0xFFFFFFC0  }
0x1c: {  	[tilespmem:s10], [sflag:$0x2] =	stream.linear.gather [hbm4b:s24+s2], $0x10000, $0x38;
	[tilespmem:$0x10100] =	vst v63  }
0x1d: {  	_ =	swait.ge [sflag:s9], $0x10000  }
0x1e: {  	[sflag:s9] =	ssyncset.done $0x0  }
0x1f: {  	[sflag:s9] =	ssyncadd.s32 $0xFFFF0000  }
0x20: {  	v3 =	vld [tilespmem:$0x0];
	_ =	sdelay $0x4  }
0x21: {  	v4 =	vshll.u32 v3, $0x3  }
0x22: {  	v3 =	vand.u32 $0x7, v3;
	v4 =	vand.u32 $0xFFFFFFC0, v4  }
0x23: {  	v3 =	vor.u32 v3, v4  }
0x24: {  	v4 =	vperm.xlane v3, v0;
	_ =	sdelay $0x1  }
0x25: {  	v4 =	vadd.s32 v1, v4;
	_ =	sdelay $0x4  }
0x26: {  	[hbm4b:s3+s2] =	stream.indirect_vreg.scatter [tilespmem:s10], [sflag:$0x1], $0x80, v4, vm0, $0xb8;
	[tilespmem:$0x10100] =	vst v63  }
0x27: {  	s0 =	simm.s32 $0x900;
	v3 =	vperm.xlane v3, v2  }
0x28: {  	[hbm4b:s5+s2] =	stream.indirect_vreg.scatter [tilespmem:s0], [sflag:$0x1], $0x80, v4, vm0, $0xb8;
	[tilespmem:$0x10100] =	vst v63  }
0x29: {  	s25 =	simm.s32 $0x1100;
	v3 =	vadd.s32 v1, v3  }
0x2a: {  	[hbm4b:s6+s2] =	stream.indirect_vreg.scatter [tilespmem:s25], [sflag:$0x1], $0x80, v4, vm0, $0xb8;
	[tilespmem:$0x10100] =	vst v63  }
0x2b: {  	s26 =	simm.s32 $0x1900  }
0x2c: {  	[hbm4b:s7+s2] =	stream.indirect_vreg.scatter [tilespmem:s26], [sflag:$0x1], $0x80, v4, vm0, $0xb8;
	[tilespmem:$0x10100] =	vst v63  }
0x2d: {  	s28 =	simm.s32 $0x2100  }
0x2e: {  	[hbm4b:s3+s2] =	stream.indirect_vreg.scatter [tilespmem:s28], [sflag:$0x1], $0x80, v3, vm0, $0xb8;
	[tilespmem:$0x10100] =	vst v63  }
0x2f: {  	s29 =	simm.s32 $0x2900  }
0x30: {  	[hbm4b:s5+s2] =	stream.indirect_vreg.scatter [tilespmem:s29], [sflag:$0x1], $0x80, v3, vm0, $0xb8;
	[tilespmem:$0x10100] =	vst v63  }
0x31: {  	s30 =	simm.s32 $0x3100  }
0x32: {  	[hbm4b:s6+s2] =	stream.indirect_vreg.scatter [tilespmem:s30], [sflag:$0x1], $0x80, v3, vm0, $0xb8;
	[tilespmem:$0x10100] =	vst v63  }
0x33: {  	s31 =	simm.s32 $0x3900  }
0x34: {  	[hbm4b:s7+s2] =	stream.indirect_vreg.scatter [tilespmem:s31], [sflag:$0x1], $0x80, v3, vm0, $0xb8;
	[tilespmem:$0x10100] =	vst v63  }
0x35: {  	v3 =	vld [tilespmem:$0x10];
	_ =	sdelay $0x4  }
0x36: {  	v49 =	vshll.u32 v3, $0x3  }
0x37: {  	v3 =	vand.u32 $0x7, v3;
	v4 =	vand.u32 $0xFFFFFFC0, v49  }
0x38: {  	v3 =	vor.u32 v3, v4  }
0x39: {  	v4 =	vperm.xlane v3, v0;
	_ =	sdelay $0x1  }
0x3a: {  	v4 =	vadd.s32 v1, v4;
	_ =	sdelay $0x3  }
0x3b: {  	s1 =	simm.s32 $0x4100  }
0x3c: {  	[hbm4b:s3+s2] =	stream.indirect_vreg.scatter [tilespmem:s1], [sflag:$0x1], $0x80, v4, vm0, $0xb8;
	[tilespmem:$0x10100] =	vst v63  }
0x3d: {  	s4 =	simm.s32 $0x4900;
	v3 =	vperm.xlane v3, v2  }
0x3e: {  	[hbm4b:s5+s2] =	stream.indirect_vreg.scatter [tilespmem:s4], [sflag:$0x1], $0x80, v4, vm0, $0xb8;
	[tilespmem:$0x10100] =	vst v63  }
0x3f: {  	s11 =	simm.s32 $0x5100;
	v3 =	vadd.s32 v1, v3  }
0x40: {  	[hbm4b:s6+s2] =	stream.indirect_vreg.scatter [tilespmem:s11], [sflag:$0x1], $0x80, v4, vm0, $0xb8;
	[tilespmem:$0x10100] =	vst v63  }
0x41: {  	s12 =	simm.s32 $0x5900  }
0x42: {  	[hbm4b:s7+s2] =	stream.indirect_vreg.scatter [tilespmem:s12], [sflag:$0x1], $0x80, v4, vm0, $0xb8;
	[tilespmem:$0x10100] =	vst v63  }
0x43: {  	s15 =	simm.s32 $0x6100  }
0x44: {  	[hbm4b:s3+s2] =	stream.indirect_vreg.scatter [tilespmem:s15], [sflag:$0x1], $0x80, v3, vm0, $0xb8;
	[tilespmem:$0x10100] =	vst v63  }
0x45: {  	s23 =	simm.s32 $0x6900  }
0x46: {  	[hbm4b:s5+s2] =	stream.indirect_vreg.scatter [tilespmem:s23], [sflag:$0x1], $0x80, v3, vm0, $0xb8;
	[tilespmem:$0x10100] =	vst v63  }
0x47: {  	s25 =	simm.s32 $0x7100  }
0x48: {  	[hbm4b:s6+s2] =	stream.indirect_vreg.scatter [tilespmem:s25], [sflag:$0x1], $0x80, v3, vm0, $0xb8;
	[tilespmem:$0x10100] =	vst v63  }
0x49: {  	s26 =	simm.s32 $0x7900  }
0x4a: {  	[hbm4b:s7+s2] =	stream.indirect_vreg.scatter [tilespmem:s26], [sflag:$0x1], $0x80, v3, vm0, $0xb8;
	[tilespmem:$0x10100] =	vst v63  }
0x4b: {  	v3 =	vld [tilespmem:$0x20];
	_ =	sdelay $0x4  }
0x4c: {  	v50 =	vshll.u32 v3, $0x3  }
0x4d: {  	v3 =	vand.u32 $0x7, v3;
	v4 =	vand.u32 $0xFFFFFFC0, v50  }
0x4e: {  	v3 =	vor.u32 v3, v4  }
0x4f: {  	v4 =	vperm.xlane v3, v0;
	_ =	sdelay $0x1  }
0x50: {  	v4 =	vadd.s32 v1, v4;
	_ =	sdelay $0x3  }
0x51: {  	s28 =	simm.s32 $0x8100  }
0x52: {  	[hbm4b:s3+s2] =	stream.indirect_vreg.scatter [tilespmem:s28], [sflag:$0x1], $0x80, v4, vm0, $0xb8;
	[tilespmem:$0x10100] =	vst v63  }
0x53: {  	s29 =	simm.s32 $0x8900;
	v3 =	vperm.xlane v3, v2  }
0x54: {  	[hbm4b:s5+s2] =	stream.indirect_vreg.scatter [tilespmem:s29], [sflag:$0x1], $0x80, v4, vm0, $0xb8;
	[tilespmem:$0x10100] =	vst v63  }
0x55: {  	s30 =	simm.s32 $0x9100;
	v3 =	vadd.s32 v1, v3  }
0x56: {  	[hbm4b:s6+s2] =	stream.indirect_vreg.scatter [tilespmem:s30], [sflag:$0x1], $0x80, v4, vm0, $0xb8;
	[tilespmem:$0x10100] =	vst v63  }
0x57: {  	s31 =	simm.s32 $0x9900  }
0x58: {  	[hbm4b:s7+s2] =	stream.indirect_vreg.scatter [tilespmem:s31], [sflag:$0x1], $0x80, v4, vm0, $0xb8;
	[tilespmem:$0x10100] =	vst v63  }
0x59: {  	s0 =	simm.s32 $0xA100  }
0x5a: {  	[hbm4b:s3+s2] =	stream.indirect_vreg.scatter [tilespmem:s0], [sflag:$0x1], $0x80, v3, vm0, $0xb8;
	[tilespmem:$0x10100] =	vst v63  }
0x5b: {  	s15 =	simm.s32 $0xA900  }
0x5c: {  	[hbm4b:s5+s2] =	stream.indirect_vreg.scatter [tilespmem:s15], [sflag:$0x1], $0x80, v3, vm0, $0xb8;
	[tilespmem:$0x10100] =	vst v63  }
0x5d: {  	s26 =	simm.s32 $0xB100  }
0x5e: {  	[hbm4b:s6+s2] =	stream.indirect_vreg.scatter [tilespmem:s26], [sflag:$0x1], $0x80, v3, vm0, $0xb8;
	[tilespmem:$0x10100] =	vst v63  }
0x5f: {  	s28 =	simm.s32 $0xB900  }
0x60: {  	[hbm4b:s7+s2] =	stream.indirect_vreg.scatter [tilespmem:s28], [sflag:$0x1], $0x80, v3, vm0, $0xb8;
	[tilespmem:$0x10100] =	vst v63  }
0x61: {  	v3 =	vld [tilespmem:$0x30];
	_ =	sdelay $0x4  }
0x62: {  	v51 =	vshll.u32 v3, $0x3  }
0x63: {  	v3 =	vand.u32 $0x7, v3;
	v4 =	vand.u32 $0xFFFFFFC0, v51  }
0x64: {  	v3 =	vor.u32 v3, v4  }
0x65: {  	v4 =	vperm.xlane v3, v0;
	_ =	sdelay $0x1  }
0x66: {  	v4 =	vadd.s32 v1, v4;
	_ =	sdelay $0x3  }
0x67: {  	s29 =	simm.s32 $0xC100  }
0x68: {  	[hbm4b:s3+s2] =	stream.indirect_vreg.scatter [tilespmem:s29], [sflag:$0x1], $0x80, v4, vm0, $0xb8;
	[tilespmem:$0x10100] =	vst v63  }
0x69: {  	s30 =	simm.s32 $0xC900;
	v3 =	vperm.xlane v3, v2  }
0x6a: {  	[hbm4b:s5+s2] =	stream.indirect_vreg.scatter [tilespmem:s30], [sflag:$0x1], $0x80, v4, vm0, $0xb8;
	[tilespmem:$0x10100] =	vst v63  }
0x6b: {  	s31 =	simm.s32 $0xD100;
	v3 =	vadd.s32 v1, v3  }
0x6c: {  	[hbm4b:s6+s2] =	stream.indirect_vreg.scatter [tilespmem:s31], [sflag:$0x1], $0x80, v4, vm0, $0xb8;
	[tilespmem:$0x10100] =	vst v63  }
0x6d: {  	s0 =	simm.s32 $0xD900  }
0x6e: {  	[hbm4b:s7+s2] =	stream.indirect_vreg.scatter [tilespmem:s0], [sflag:$0x1], $0x80, v4, vm0, $0xb8;
	[tilespmem:$0x10100] =	vst v63  }
0x6f: {  	s15 =	simm.s32 $0xE100  }
0x70: {  	[hbm4b:s3+s2] =	stream.indirect_vreg.scatter [tilespmem:s15], [sflag:$0x1], $0x80, v3, vm0, $0xb8;
	[tilespmem:$0x10100] =	vst v63  }
0x71: {  	s30 =	simm.s32 $0xE900  }
0x72: {  	[hbm4b:s5+s2] =	stream.indirect_vreg.scatter [tilespmem:s30], [sflag:$0x1], $0x80, v3, vm0, $0xb8;
	[tilespmem:$0x10100] =	vst v63  }
0x73: {  	s31 =	simm.s32 $0xF100  }
0x74: {  	[hbm4b:s6+s2] =	stream.indirect_vreg.scatter [tilespmem:s31], [sflag:$0x1], $0x80, v3, vm0, $0xb8;
	[tilespmem:$0x10100] =	vst v63  }
0x75: {  	s0 =	simm.s32 $0xF900  }
0x76: {  	[hbm4b:s7+s2] =	stream.indirect_vreg.scatter [tilespmem:s0], [sflag:$0x1], $0x80, v3, vm0, $0xb8;
	[tilespmem:$0x10100] =	vst v63  }
0x77: {  	_ =	swait.ge [sflag:s20], $0x10000  }
0x78: {  	[sflag:s20] =	ssyncset.done $0x0  }
0x79: {  	s15 =	rddreg [dreg:$0x6];
	[sflag:s20] =	ssyncadd.s32 $0xFFFF0000  }
0x7a: {  	[tilespmem:s21], [sflag:$0x2] =	stream.linear.gather [hbm4b:s15+s2], $0x40, $0x38;
	[tilespmem:$0x10100] =	vst v63  }
0x7b: {  	_ =	swait.ge [sflag:s9], $0x40  }
0x7c: {  	[sflag:s9] =	ssyncset.done $0x0  }
0x7d: {  	s31 =	simm.s32 $0x40;
	s0 =	rddreg [dreg:$0x10];
	[sflag:s9] =	ssyncadd.s32 $0xFFFFFFC0  }
0x7e: {  	[hbm4b:s0+s31] =	stream.indirect.scatter [tilespmem:s21], [sflag:$0x1], $0x1, s2, s31, $0xb8;
	[tilespmem:$0x10100] =	vst v63  }
0x7f: {  	_ =	swait.ge [sflag:s20], $0x40  }
0x80: {  	[sflag:s20] =	ssyncset.done $0x0  }
0x81: {  	s15 =	rddreg [dreg:$0x7];
	[sflag:s20] =	ssyncadd.s32 $0xFFFFFFC0  }
0x82: {  	[tilespmem:s2], [sflag:$0x2] =	stream.linear.gather [hbm4b:s15+s2], $0x40, $0x38;
	[tilespmem:$0x10100] =	vst v63  }
0x83: {  	_ =	swait.ge [sflag:s9], $0x40  }
0x84: {  	[sflag:s9] =	ssyncset.done $0x0  }
0x85: {  	s15 =	rddreg [dreg:$0x8];
	[sflag:s9] =	ssyncadd.s32 $0xFFFFFFC0  }
0x86: {  	[tilespmem:s10], [sflag:$0x2] =	stream.linear.gather [hbm4b:s15+s2], $0x10000, $0x38;
	[tilespmem:$0x10100] =	vst v63  }
0x87: {  	_ =	swait.ge [sflag:s9], $0x10000  }
0x88: {  	[sflag:s9] =	ssyncset.done $0x0  }
0x89: {  	[sflag:s9] =	ssyncadd.s32 $0xFFFF0000  }
0x8a: {  	v3 =	vld [tilespmem:$0x0];
	_ =	sdelay $0x4  }
0x8b: {  	v52 =	vshll.u32 v3, $0x3  }
0x8c: {  	v3 =	vand.u32 $0x7, v3;
	v4 =	vand.u32 $0xFFFFFFC0, v52  }
0x8d: {  	v3 =	vor.u32 v3, v4  }
0x8e: {  	v4 =	vperm.xlane v3, v0;
	_ =	sdelay $0x1  }
0x8f: {  	v4 =	vadd.s32 v1, v4;
	_ =	sdelay $0x4  }
0x90: {  	[hbm4b:s3+s2] =	stream.indirect_vreg.scatter [tilespmem:s10], [sflag:$0x1], $0x80, v4, vm0, $0xb8;
	[tilespmem:$0x10100] =	vst v63  }
0x91: {  	s13 =	simm.s32 $0x900;
	v3 =	vperm.xlane v3, v2  }
0x92: {  	[hbm4b:s5+s2] =	stream.indirect_vreg.scatter [tilespmem:s13], [sflag:$0x1], $0x80, v4, vm0, $0xb8;
	[tilespmem:$0x10100] =	vst v63  }
0x93: {  	s16 =	simm.s32 $0x1100;
	v3 =	vadd.s32 v1, v3  }
0x94: {  	[hbm4b:s6+s2] =	stream.indirect_vreg.scatter [tilespmem:s16], [sflag:$0x1], $0x80, v4, vm0, $0xb8;
	[tilespmem:$0x10100] =	vst v63  }
0x95: {  	s17 =	simm.s32 $0x1900  }
0x96: {  	[hbm4b:s7+s2] =	stream.indirect_vreg.scatter [tilespmem:s17], [sflag:$0x1], $0x80, v4, vm0, $0xb8;
	[tilespmem:$0x10100] =	vst v63  }
0x97: {  	s18 =	simm.s32 $0x2100  }
0x98: {  	[hbm4b:s3+s2] =	stream.indirect_vreg.scatter [tilespmem:s18], [sflag:$0x1], $0x80, v3, vm0, $0xb8;
	[tilespmem:$0x10100] =	vst v63  }
0x99: {  	s19 =	simm.s32 $0x2900  }
0x9a: {  	[hbm4b:s5+s2] =	stream.indirect_vreg.scatter [tilespmem:s19], [sflag:$0x1], $0x80, v3, vm0, $0xb8;
	[tilespmem:$0x10100] =	vst v63  }
0x9b: {  	s22 =	simm.s32 $0x3100  }
0x9c: {  	[hbm4b:s6+s2] =	stream.indirect_vreg.scatter [tilespmem:s22], [sflag:$0x1], $0x80, v3, vm0, $0xb8;
	[tilespmem:$0x10100] =	vst v63  }
0x9d: {  	s14 =	simm.s32 $0x3900  }
0x9e: {  	[hbm4b:s7+s2] =	stream.indirect_vreg.scatter [tilespmem:s14], [sflag:$0x1], $0x80, v3, vm0, $0xb8;
	[tilespmem:$0x10100] =	vst v63  }
0x9f: {  	v3 =	vld [tilespmem:$0x10];
	_ =	sdelay $0x4  }
0xa0: {  	v53 =	vshll.u32 v3, $0x3  }
0xa1: {  	v3 =	vand.u32 $0x7, v3;
	v4 =	vand.u32 $0xFFFFFFC0, v53  }
0xa2: {  	v3 =	vor.u32 v3, v4  }
0xa3: {  	v4 =	vperm.xlane v3, v0;
	_ =	sdelay $0x1  }
0xa4: {  	v4 =	vadd.s32 v1, v4;
	_ =	sdelay $0x3  }
0xa5: {  	s24 =	simm.s32 $0x4100  }
0xa6: {  	[hbm4b:s3+s2] =	stream.indirect_vreg.scatter [tilespmem:s24], [sflag:$0x1], $0x80, v4, vm0, $0xb8;
	[tilespmem:$0x10100] =	vst v63  }
0xa7: {  	s1 =	simm.s32 $0x4900;
	v3 =	vperm.xlane v3, v2  }
0xa8: {  	[hbm4b:s5+s2] =	stream.indirect_vreg.scatter [tilespmem:s1], [sflag:$0x1], $0x80, v4, vm0, $0xb8;
	[tilespmem:$0x10100] =	vst v63  }
0xa9: {  	s16 =	simm.s32 $0x5100;
	v3 =	vadd.s32 v1, v3  }
0xaa: {  	[hbm4b:s6+s2] =	stream.indirect_vreg.scatter [tilespmem:s16], [sflag:$0x1], $0x80, v4, vm0, $0xb8;
	[tilespmem:$0x10100] =	vst v63  }
0xab: {  	s17 =	simm.s32 $0x5900  }
0xac: {  	[hbm4b:s7+s2] =	stream.indirect_vreg.scatter [tilespmem:s17], [sflag:$0x1], $0x80, v4, vm0, $0xb8;
	[tilespmem:$0x10100] =	vst v63  }
0xad: {  	s18 =	simm.s32 $0x6100  }
0xae: {  	[hbm4b:s3+s2] =	stream.indirect_vreg.scatter [tilespmem:s18], [sflag:$0x1], $0x80, v3, vm0, $0xb8;
	[tilespmem:$0x10100] =	vst v63  }
0xaf: {  	s19 =	simm.s32 $0x6900  }
0xb0: {  	[hbm4b:s5+s2] =	stream.indirect_vreg.scatter [tilespmem:s19], [sflag:$0x1], $0x80, v3, vm0, $0xb8;
	[tilespmem:$0x10100] =	vst v63  }
0xb1: {  	s22 =	simm.s32 $0x7100  }
0xb2: {  	[hbm4b:s6+s2] =	stream.indirect_vreg.scatter [tilespmem:s22], [sflag:$0x1], $0x80, v3, vm0, $0xb8;
	[tilespmem:$0x10100] =	vst v63  }
0xb3: {  	s4 =	simm.s32 $0x7900  }
0xb4: {  	[hbm4b:s7+s2] =	stream.indirect_vreg.scatter [tilespmem:s4], [sflag:$0x1], $0x80, v3, vm0, $0xb8;
	[tilespmem:$0x10100] =	vst v63  }
0xb5: {  	v3 =	vld [tilespmem:$0x20];
	_ =	sdelay $0x4  }
0xb6: {  	v54 =	vshll.u32 v3, $0x3  }
0xb7: {  	v3 =	vand.u32 $0x7, v3;
	v4 =	vand.u32 $0xFFFFFFC0, v54  }
0xb8: {  	v3 =	vor.u32 v3, v4  }
0xb9: {  	v4 =	vperm.xlane v3, v0;
	_ =	sdelay $0x1  }
0xba: {  	v4 =	vadd.s32 v1, v4;
	_ =	sdelay $0x3  }
0xbb: {  	s11 =	simm.s32 $0x8100  }
0xbc: {  	[hbm4b:s3+s2] =	stream.indirect_vreg.scatter [tilespmem:s11], [sflag:$0x1], $0x80, v4, vm0, $0xb8;
	[tilespmem:$0x10100] =	vst v63  }
0xbd: {  	s12 =	simm.s32 $0x8900;
	v3 =	vperm.xlane v3, v2  }
0xbe: {  	[hbm4b:s5+s2] =	stream.indirect_vreg.scatter [tilespmem:s12], [sflag:$0x1], $0x80, v4, vm0, $0xb8;
	[tilespmem:$0x10100] =	vst v63  }
0xbf: {  	s24 =	simm.s32 $0x9100;
	v3 =	vadd.s32 v1, v3  }
0xc0: {  	[hbm4b:s6+s2] =	stream.indirect_vreg.scatter [tilespmem:s24], [sflag:$0x1], $0x80, v4, vm0, $0xb8;
	[tilespmem:$0x10100] =	vst v63  }
0xc1: {  	s25 =	simm.s32 $0x9900  }
0xc2: {  	[hbm4b:s7+s2] =	stream.indirect_vreg.scatter [tilespmem:s25], [sflag:$0x1], $0x80, v4, vm0, $0xb8;
	[tilespmem:$0x10100] =	vst v63  }
0xc3: {  	s11 =	simm.s32 $0xA100  }
0xc4: {  	[hbm4b:s3+s2] =	stream.indirect_vreg.scatter [tilespmem:s11], [sflag:$0x1], $0x80, v3, vm0, $0xb8;
	[tilespmem:$0x10100] =	vst v63  }
0xc5: {  	s12 =	simm.s32 $0xA900  }
0xc6: {  	[hbm4b:s5+s2] =	stream.indirect_vreg.scatter [tilespmem:s12], [sflag:$0x1], $0x80, v3, vm0, $0xb8;
	[tilespmem:$0x10100] =	vst v63  }
0xc7: {  	s13 =	simm.s32 $0xB100  }
0xc8: {  	[hbm4b:s6+s2] =	stream.indirect_vreg.scatter [tilespmem:s13], [sflag:$0x1], $0x80, v3, vm0, $0xb8;
	[tilespmem:$0x10100] =	vst v63  }
0xc9: {  	s26 =	simm.s32 $0xB900  }
0xca: {  	[hbm4b:s7+s2] =	stream.indirect_vreg.scatter [tilespmem:s26], [sflag:$0x1], $0x80, v3, vm0, $0xb8;
	[tilespmem:$0x10100] =	vst v63  }
0xcb: {  	v3 =	vld [tilespmem:$0x30];
	_ =	sdelay $0x4  }
0xcc: {  	v55 =	vshll.u32 v3, $0x3  }
0xcd: {  	v3 =	vand.u32 $0x7, v3;
	v4 =	vand.u32 $0xFFFFFFC0, v55  }
0xce: {  	v3 =	vor.u32 v3, v4  }
0xcf: {  	v4 =	vperm.xlane v3, v0;
	_ =	sdelay $0x1  }
0xd0: {  	v4 =	vadd.s32 v1, v4;
	_ =	sdelay $0x3  }
0xd1: {  	s28 =	simm.s32 $0xC100  }
0xd2: {  	[hbm4b:s3+s2] =	stream.indirect_vreg.scatter [tilespmem:s28], [sflag:$0x1], $0x80, v4, vm0, $0xb8;
	[tilespmem:$0x10100] =	vst v63  }
0xd3: {  	s29 =	simm.s32 $0xC900;
	v3 =	vperm.xlane v3, v2  }
0xd4: {  	[hbm4b:s5+s2] =	stream.indirect_vreg.scatter [tilespmem:s29], [sflag:$0x1], $0x80, v4, vm0, $0xb8;
	[tilespmem:$0x10100] =	vst v63  }
0xd5: {  	s14 =	simm.s32 $0xD100;
	v3 =	vadd.s32 v1, v3  }
0xd6: {  	[hbm4b:s6+s2] =	stream.indirect_vreg.scatter [tilespmem:s14], [sflag:$0x1], $0x80, v4, vm0, $0xb8;
	[tilespmem:$0x10100] =	vst v63  }
0xd7: {  	s23 =	simm.s32 $0xD900  }
0xd8: {  	[hbm4b:s7+s2] =	stream.indirect_vreg.scatter [tilespmem:s23], [sflag:$0x1], $0x80, v4, vm0, $0xb8;
	[tilespmem:$0x10100] =	vst v63  }
0xd9: {  	s25 =	simm.s32 $0xE100  }
0xda: {  	[hbm4b:s3+s2] =	stream.indirect_vreg.scatter [tilespmem:s25], [sflag:$0x1], $0x80, v3, vm0, $0xb8;
	[tilespmem:$0x10100] =	vst v63  }
0xdb: {  	s26 =	simm.s32 $0xE900  }
0xdc: {  	[hbm4b:s5+s2] =	stream.indirect_vreg.scatter [tilespmem:s26], [sflag:$0x1], $0x80, v3, vm0, $0xb8;
	[tilespmem:$0x10100] =	vst v63  }
0xdd: {  	s28 =	simm.s32 $0xF100  }
0xde: {  	[hbm4b:s6+s2] =	stream.indirect_vreg.scatter [tilespmem:s28], [sflag:$0x1], $0x80, v3, vm0, $0xb8;
	[tilespmem:$0x10100] =	vst v63  }
0xdf: {  	s30 =	simm.s32 $0xF900  }
0xe0: {  	[hbm4b:s7+s2] =	stream.indirect_vreg.scatter [tilespmem:s30], [sflag:$0x1], $0x80, v3, vm0, $0xb8;
	[tilespmem:$0x10100] =	vst v63  }
0xe1: {  	_ =	swait.ge [sflag:s20], $0x10000  }
0xe2: {  	[sflag:s20] =	ssyncset.done $0x0  }
0xe3: {  	s29 =	rddreg [dreg:$0x9];
	[sflag:s20] =	ssyncadd.s32 $0xFFFF0000  }
0xe4: {  	[tilespmem:s21], [sflag:$0x2] =	stream.linear.gather [hbm4b:s29+s2], $0x40, $0x38;
	[tilespmem:$0x10100] =	vst v63  }
0xe5: {  	_ =	swait.ge [sflag:s9], $0x40  }
0xe6: {  	[sflag:s9] =	ssyncset.done $0x0  }
0xe7: {  	s31 =	simm.s32 $0x40;
	[sflag:s9] =	ssyncadd.s32 $0xFFFFFFC0  }
0xe8: {  	[hbm4b:s0+s31] =	stream.indirect.scatter [tilespmem:s21], [sflag:$0x1], $0x1, s2, s31, $0xb8;
	[tilespmem:$0x10100] =	vst v63  }
0xe9: {  	_ =	swait.ge [sflag:s20], $0x40  }
0xea: {  	[sflag:s20] =	ssyncset.done $0x0  }
0xeb: {  	s30 =	rddreg [dreg:$0xa];
	[sflag:s20] =	ssyncadd.s32 $0xFFFFFFC0  }
0xec: {  	[tilespmem:s2], [sflag:$0x2] =	stream.linear.gather [hbm4b:s30+s2], $0x40, $0x38;
	[tilespmem:$0x10100] =	vst v63  }
0xed: {  	_ =	swait.ge [sflag:s9], $0x40  }
0xee: {  	[sflag:s9] =	ssyncset.done $0x0  }
0xef: {  	s31 =	rddreg [dreg:$0xb];
	[sflag:s9] =	ssyncadd.s32 $0xFFFFFFC0  }
0xf0: {  	[tilespmem:s10], [sflag:$0x2] =	stream.linear.gather [hbm4b:s31+s2], $0x10000, $0x38;
	[tilespmem:$0x10100] =	vst v63  }
0xf1: {  	_ =	swait.ge [sflag:s9], $0x10000  }
0xf2: {  	[sflag:s9] =	ssyncset.done $0x0  }
0xf3: {  	[sflag:s9] =	ssyncadd.s32 $0xFFFF0000  }
0xf4: {  	v3 =	vld [tilespmem:$0x0];
	_ =	sdelay $0x4  }
0xf5: {  	v56 =	vshll.u32 v3, $0x3  }
0xf6: {  	v3 =	vand.u32 $0x7, v3;
	v4 =	vand.u32 $0xFFFFFFC0, v56  }
0xf7: {  	v3 =	vor.u32 v3, v4  }
0xf8: {  	v4 =	vperm.xlane v3, v0;
	_ =	sdelay $0x1  }
0xf9: {  	v4 =	vadd.s32 v1, v4;
	_ =	sdelay $0x4  }
0xfa: {  	[hbm4b:s3+s2] =	stream.indirect_vreg.scatter [tilespmem:s10], [sflag:$0x1], $0x80, v4, vm0, $0xb8;
	[tilespmem:$0x10100] =	vst v63  }
0xfb: {  	s28 =	simm.s32 $0x900;
	v3 =	vperm.xlane v3, v2  }
0xfc: {  	[hbm4b:s5+s2] =	stream.indirect_vreg.scatter [tilespmem:s28], [sflag:$0x1], $0x80, v4, vm0, $0xb8;
	[tilespmem:$0x10100] =	vst v63  }
0xfd: {  	s15 =	simm.s32 $0x1100;
	v3 =	vadd.s32 v1, v3  }
0xfe: {  	[hbm4b:s6+s2] =	stream.indirect_vreg.scatter [tilespmem:s15], [sflag:$0x1], $0x80, v4, vm0, $0xb8;
	[tilespmem:$0x10100] =	vst v63  }
0xff: {  	s29 =	simm.s32 $0x1900  }
0x100: {  	[hbm4b:s7+s2] =	stream.indirect_vreg.scatter [tilespmem:s29], [sflag:$0x1], $0x80, v4, vm0, $0xb8;
	[tilespmem:$0x10100] =	vst v63  }
0x101: {  	s30 =	simm.s32 $0x2100  }
0x102: {  	[hbm4b:s3+s2] =	stream.indirect_vreg.scatter [tilespmem:s30], [sflag:$0x1], $0x80, v3, vm0, $0xb8;
	[tilespmem:$0x10100] =	vst v63  }
0x103: {  	s31 =	simm.s32 $0x2900  }
0x104: {  	[hbm4b:s5+s2] =	stream.indirect_vreg.scatter [tilespmem:s31], [sflag:$0x1], $0x80, v3, vm0, $0xb8;
	[tilespmem:$0x10100] =	vst v63  }
0x105: {  	s23 =	simm.s32 $0x3100  }
0x106: {  	[hbm4b:s6+s2] =	stream.indirect_vreg.scatter [tilespmem:s23], [sflag:$0x1], $0x80, v3, vm0, $0xb8;
	[tilespmem:$0x10100] =	vst v63  }
0x107: {  	s30 =	simm.s32 $0x3900  }
0x108: {  	[hbm4b:s7+s2] =	stream.indirect_vreg.scatter [tilespmem:s30], [sflag:$0x1], $0x80, v3, vm0, $0xb8;
	[tilespmem:$0x10100] =	vst v63  }
0x109: {  	v3 =	vld [tilespmem:$0x10];
	_ =	sdelay $0x4  }
0x10a: {  	v57 =	vshll.u32 v3, $0x3  }
0x10b: {  	v3 =	vand.u32 $0x7, v3;
	v4 =	vand.u32 $0xFFFFFFC0, v57  }
0x10c: {  	v3 =	vor.u32 v3, v4  }
0x10d: {  	v4 =	vperm.xlane v3, v0;
	_ =	sdelay $0x1  }
0x10e: {  	v4 =	vadd.s32 v1, v4;
	_ =	sdelay $0x3  }
0x10f: {  	s31 =	simm.s32 $0x4100  }
0x110: {  	[hbm4b:s3+s2] =	stream.indirect_vreg.scatter [tilespmem:s31], [sflag:$0x1], $0x80, v4, vm0, $0xb8;
	[tilespmem:$0x10100] =	vst v63  }
0x111: {  	s23 =	simm.s32 $0x4900;
	v3 =	vperm.xlane v3, v2  }
0x112: {  	[hbm4b:s5+s2] =	stream.indirect_vreg.scatter [tilespmem:s23], [sflag:$0x1], $0x80, v4, vm0, $0xb8;
	[tilespmem:$0x10100] =	vst v63  }
0x113: {  	v3 =	vadd.s32 v1, v3  }
0x114: {  	[hbm4b:s6+s2] =	stream.indirect_vreg.scatter [tilespmem:s16], [sflag:$0x1], $0x80, v4, vm0, $0xb8;
	[tilespmem:$0x10100] =	vst v63  }
0x115: {  	_ = 	snop  }
0x116: {  	[hbm4b:s7+s2] =	stream.indirect_vreg.scatter [tilespmem:s17], [sflag:$0x1], $0x80, v4, vm0, $0xb8;
	[tilespmem:$0x10100] =	vst v63  }
0x117: {  	_ = 	snop  }
0x118: {  	[hbm4b:s3+s2] =	stream.indirect_vreg.scatter [tilespmem:s18], [sflag:$0x1], $0x80, v3, vm0, $0xb8;
	[tilespmem:$0x10100] =	vst v63  }
0x119: {  	_ = 	snop  }
0x11a: {  	[hbm4b:s5+s2] =	stream.indirect_vreg.scatter [tilespmem:s19], [sflag:$0x1], $0x80, v3, vm0, $0xb8;
	[tilespmem:$0x10100] =	vst v63  }
0x11b: {  	_ = 	snop  }
0x11c: {  	[hbm4b:s6+s2] =	stream.indirect_vreg.scatter [tilespmem:s22], [sflag:$0x1], $0x80, v3, vm0, $0xb8;
	[tilespmem:$0x10100] =	vst v63  }
0x11d: {  	s30 =	simm.s32 $0x7900  }
0x11e: {  	[hbm4b:s7+s2] =	stream.indirect_vreg.scatter [tilespmem:s30], [sflag:$0x1], $0x80, v3, vm0, $0xb8;
	[tilespmem:$0x10100] =	vst v63  }
0x11f: {  	v3 =	vld [tilespmem:$0x20];
	_ =	sdelay $0x4  }
0x120: {  	v58 =	vshll.u32 v3, $0x3  }
0x121: {  	v3 =	vand.u32 $0x7, v3;
	v4 =	vand.u32 $0xFFFFFFC0, v58  }
0x122: {  	v3 =	vor.u32 v3, v4  }
0x123: {  	v4 =	vperm.xlane v3, v0;
	_ =	sdelay $0x1  }
0x124: {  	v4 =	vadd.s32 v1, v4;
	_ =	sdelay $0x3  }
0x125: {  	s31 =	simm.s32 $0x8100  }
0x126: {  	[hbm4b:s3+s2] =	stream.indirect_vreg.scatter [tilespmem:s31], [sflag:$0x1], $0x80, v4, vm0, $0xb8;
	[tilespmem:$0x10100] =	vst v63  }
0x127: {  	s23 =	simm.s32 $0x8900;
	v3 =	vperm.xlane v3, v2  }
0x128: {  	[hbm4b:s5+s2] =	stream.indirect_vreg.scatter [tilespmem:s23], [sflag:$0x1], $0x80, v4, vm0, $0xb8;
	[tilespmem:$0x10100] =	vst v63  }
0x129: {  	v3 =	vadd.s32 v1, v3  }
0x12a: {  	[hbm4b:s6+s2] =	stream.indirect_vreg.scatter [tilespmem:s24], [sflag:$0x1], $0x80, v4, vm0, $0xb8;
	[tilespmem:$0x10100] =	vst v63  }
0x12b: {  	s24 =	simm.s32 $0x9900  }
0x12c: {  	[hbm4b:s7+s2] =	stream.indirect_vreg.scatter [tilespmem:s24], [sflag:$0x1], $0x80, v4, vm0, $0xb8;
	[tilespmem:$0x10100] =	vst v63  }
0x12d: {  	s1 =	simm.s32 $0xA100  }
0x12e: {  	[hbm4b:s3+s2] =	stream.indirect_vreg.scatter [tilespmem:s1], [sflag:$0x1], $0x80, v3, vm0, $0xb8;
	[tilespmem:$0x10100] =	vst v63  }
0x12f: {  	s4 =	simm.s32 $0xA900  }
0x130: {  	[hbm4b:s5+s2] =	stream.indirect_vreg.scatter [tilespmem:s4], [sflag:$0x1], $0x80, v3, vm0, $0xb8;
	[tilespmem:$0x10100] =	vst v63  }
0x131: {  	s11 =	simm.s32 $0xB100  }
0x132: {  	[hbm4b:s6+s2] =	stream.indirect_vreg.scatter [tilespmem:s11], [sflag:$0x1], $0x80, v3, vm0, $0xb8;
	[tilespmem:$0x10100] =	vst v63  }
0x133: {  	s30 =	simm.s32 $0xB900  }
0x134: {  	[hbm4b:s7+s2] =	stream.indirect_vreg.scatter [tilespmem:s30], [sflag:$0x1], $0x80, v3, vm0, $0xb8;
	[tilespmem:$0x10100] =	vst v63  }
0x135: {  	v3 =	vld [tilespmem:$0x30];
	_ =	sdelay $0x4  }
0x136: {  	v59 =	vshll.u32 v3, $0x3  }
0x137: {  	v3 =	vand.u32 $0x7, v3;
	v4 =	vand.u32 $0xFFFFFFC0, v59  }
0x138: {  	v3 =	vor.u32 v3, v4  }
0x139: {  	v4 =	vperm.xlane v3, v0;
	_ =	sdelay $0x1  }
0x13a: {  	v4 =	vadd.s32 v1, v4;
	_ =	sdelay $0x3  }
0x13b: {  	s23 =	simm.s32 $0xC100  }
0x13c: {  	[hbm4b:s3+s2] =	stream.indirect_vreg.scatter [tilespmem:s23], [sflag:$0x1], $0x80, v4, vm0, $0xb8;
	[tilespmem:$0x10100] =	vst v63  }
0x13d: {  	v3 =	vperm.xlane v3, v2;
	s23 =	simm.s32 $0xC900  }
0x13e: {  	[hbm4b:s5+s2] =	stream.indirect_vreg.scatter [tilespmem:s23], [sflag:$0x1], $0x80, v4, vm0, $0xb8;
	[tilespmem:$0x10100] =	vst v63  }
0x13f: {  	s12 =	simm.s32 $0xD100;
	v3 =	vadd.s32 v1, v3  }
0x140: {  	[hbm4b:s6+s2] =	stream.indirect_vreg.scatter [tilespmem:s12], [sflag:$0x1], $0x80, v4, vm0, $0xb8;
	[tilespmem:$0x10100] =	vst v63  }
0x141: {  	s13 =	simm.s32 $0xD900  }
0x142: {  	[hbm4b:s7+s2] =	stream.indirect_vreg.scatter [tilespmem:s13], [sflag:$0x1], $0x80, v4, vm0, $0xb8;
	[tilespmem:$0x10100] =	vst v63  }
0x143: {  	s14 =	simm.s32 $0xE100  }
0x144: {  	[hbm4b:s3+s2] =	stream.indirect_vreg.scatter [tilespmem:s14], [sflag:$0x1], $0x80, v3, vm0, $0xb8;
	[tilespmem:$0x10100] =	vst v63  }
0x145: {  	s25 =	simm.s32 $0xE900  }
0x146: {  	[hbm4b:s5+s2] =	stream.indirect_vreg.scatter [tilespmem:s25], [sflag:$0x1], $0x80, v3, vm0, $0xb8;
	[tilespmem:$0x10100] =	vst v63  }
0x147: {  	s26 =	simm.s32 $0xF100  }
0x148: {  	[hbm4b:s6+s2] =	stream.indirect_vreg.scatter [tilespmem:s26], [sflag:$0x1], $0x80, v3, vm0, $0xb8;
	[tilespmem:$0x10100] =	vst v63  }
0x149: {  	s26 =	simm.s32 $0xF900  }
0x14a: {  	[hbm4b:s7+s2] =	stream.indirect_vreg.scatter [tilespmem:s26], [sflag:$0x1], $0x80, v3, vm0, $0xb8;
	[tilespmem:$0x10100] =	vst v63  }
0x14b: {  	_ =	swait.ge [sflag:s20], $0x10000  }
0x14c: {  	[sflag:s20] =	ssyncset.done $0x0  }
0x14d: {  	s23 =	rddreg [dreg:$0xc];
	[sflag:s20] =	ssyncadd.s32 $0xFFFF0000  }
0x14e: {  	[tilespmem:s21], [sflag:$0x2] =	stream.linear.gather [hbm4b:s23+s2], $0x40, $0x38;
	[tilespmem:$0x10100] =	vst v63  }
0x14f: {  	_ =	swait.ge [sflag:s9], $0x40  }
0x150: {  	[sflag:s9] =	ssyncset.done $0x0  }
0x151: {  	s23 =	simm.s32 $0x40;
	[sflag:s9] =	ssyncadd.s32 $0xFFFFFFC0  }
0x152: {  	[hbm4b:s0+s23] =	stream.indirect.scatter [tilespmem:s21], [sflag:$0x1], $0x1, s2, s23, $0xb8;
	[tilespmem:$0x10100] =	vst v63  }
0x153: {  	_ =	swait.ge [sflag:s20], $0x40  }
0x154: {  	[sflag:s20] =	ssyncset.done $0x0  }
0x155: {  	s23 =	rddreg [dreg:$0xd];
	[sflag:s20] =	ssyncadd.s32 $0xFFFFFFC0  }
0x156: {  	[tilespmem:s2], [sflag:$0x2] =	stream.linear.gather [hbm4b:s23+s2], $0x40, $0x38;
	[tilespmem:$0x10100] =	vst v63  }
0x157: {  	_ =	swait.ge [sflag:s9], $0x40  }
0x158: {  	[sflag:s9] =	ssyncset.done $0x0  }
0x159: {  	s23 =	rddreg [dreg:$0xe];
	[sflag:s9] =	ssyncadd.s32 $0xFFFFFFC0  }
0x15a: {  	[tilespmem:s10], [sflag:$0x2] =	stream.linear.gather [hbm4b:s23+s2], $0x10000, $0x38;
	[tilespmem:$0x10100] =	vst v63  }
0x15b: {  	_ =	swait.ge [sflag:s9], $0x10000  }
0x15c: {  	[sflag:s9] =	ssyncset.done $0x0  }
0x15d: {  	[sflag:s9] =	ssyncadd.s32 $0xFFFF0000  }
0x15e: {  	v3 =	vld [tilespmem:$0x0];
	_ =	sdelay $0x4  }
0x15f: {  	v60 =	vshll.u32 v3, $0x3  }
0x160: {  	v3 =	vand.u32 $0x7, v3;
	v4 =	vand.u32 $0xFFFFFFC0, v60  }
0x161: {  	v3 =	vor.u32 v3, v4  }
0x162: {  	v4 =	vperm.xlane v3, v0;
	_ =	sdelay $0x1  }
0x163: {  	v4 =	vadd.s32 v1, v4;
	_ =	sdelay $0x4  }
0x164: {  	[hbm4b:s3+s2] =	stream.indirect_vreg.scatter [tilespmem:s10], [sflag:$0x1], $0x80, v4, vm0, $0xb8;
	[tilespmem:$0x10100] =	vst v63  }
0x165: {  	s23 =	simm.s32 $0x900;
	v3 =	vperm.xlane v3, v2  }
0x166: {  	[hbm4b:s5+s2] =	stream.indirect_vreg.scatter [tilespmem:s23], [sflag:$0x1], $0x80, v4, vm0, $0xb8;
	[tilespmem:$0x10100] =	vst v63  }
0x167: {  	s28 =	simm.s32 $0x1100;
	v3 =	vadd.s32 v1, v3  }
0x168: {  	[hbm4b:s6+s2] =	stream.indirect_vreg.scatter [tilespmem:s28], [sflag:$0x1], $0x80, v4, vm0, $0xb8;
	[tilespmem:$0x10100] =	vst v63  }
0x169: {  	s29 =	simm.s32 $0x1900  }
0x16a: {  	[hbm4b:s7+s2] =	stream.indirect_vreg.scatter [tilespmem:s29], [sflag:$0x1], $0x80, v4, vm0, $0xb8;
	[tilespmem:$0x10100] =	vst v63  }
0x16b: {  	s28 =	simm.s32 $0x2100  }
0x16c: {  	[hbm4b:s3+s2] =	stream.indirect_vreg.scatter [tilespmem:s28], [sflag:$0x1], $0x80, v3, vm0, $0xb8;
	[tilespmem:$0x10100] =	vst v63  }
0x16d: {  	s29 =	simm.s32 $0x2900  }
0x16e: {  	[hbm4b:s5+s2] =	stream.indirect_vreg.scatter [tilespmem:s29], [sflag:$0x1], $0x80, v3, vm0, $0xb8;
	[tilespmem:$0x10100] =	vst v63  }
0x16f: {  	s28 =	simm.s32 $0x3100  }
0x170: {  	[hbm4b:s6+s2] =	stream.indirect_vreg.scatter [tilespmem:s28], [sflag:$0x1], $0x80, v3, vm0, $0xb8;
	[tilespmem:$0x10100] =	vst v63  }
0x171: {  	s29 =	simm.s32 $0x3900  }
0x172: {  	[hbm4b:s7+s2] =	stream.indirect_vreg.scatter [tilespmem:s29], [sflag:$0x1], $0x80, v3, vm0, $0xb8;
	[tilespmem:$0x10100] =	vst v63  }
0x173: {  	v3 =	vld [tilespmem:$0x10];
	_ =	sdelay $0x4  }
0x174: {  	v61 =	vshll.u32 v3, $0x3  }
0x175: {  	v3 =	vand.u32 $0x7, v3;
	v4 =	vand.u32 $0xFFFFFFC0, v61  }
0x176: {  	v3 =	vor.u32 v3, v4  }
0x177: {  	v4 =	vperm.xlane v3, v0;
	_ =	sdelay $0x1  }
0x178: {  	v4 =	vadd.s32 v1, v4;
	_ =	sdelay $0x3  }
0x179: {  	s28 =	simm.s32 $0x4100  }
0x17a: {  	[hbm4b:s3+s2] =	stream.indirect_vreg.scatter [tilespmem:s28], [sflag:$0x1], $0x80, v4, vm0, $0xb8;
	[tilespmem:$0x10100] =	vst v63  }
0x17b: {  	s29 =	simm.s32 $0x4900;
	v3 =	vperm.xlane v3, v2  }
0x17c: {  	[hbm4b:s5+s2] =	stream.indirect_vreg.scatter [tilespmem:s29], [sflag:$0x1], $0x80, v4, vm0, $0xb8;
	[tilespmem:$0x10100] =	vst v63  }
0x17d: {  	s15 =	simm.s32 $0x5100;
	v3 =	vadd.s32 v1, v3  }
0x17e: {  	[hbm4b:s6+s2] =	stream.indirect_vreg.scatter [tilespmem:s15], [sflag:$0x1], $0x80, v4, vm0, $0xb8;
	[tilespmem:$0x10100] =	vst v63  }
0x17f: {  	s16 =	simm.s32 $0x5900  }
0x180: {  	[hbm4b:s7+s2] =	stream.indirect_vreg.scatter [tilespmem:s16], [sflag:$0x1], $0x80, v4, vm0, $0xb8;
	[tilespmem:$0x10100] =	vst v63  }
0x181: {  	s17 =	simm.s32 $0x6100  }
0x182: {  	[hbm4b:s3+s2] =	stream.indirect_vreg.scatter [tilespmem:s17], [sflag:$0x1], $0x80, v3, vm0, $0xb8;
	[tilespmem:$0x10100] =	vst v63  }
0x183: {  	s18 =	simm.s32 $0x6900  }
0x184: {  	[hbm4b:s5+s2] =	stream.indirect_vreg.scatter [tilespmem:s18], [sflag:$0x1], $0x80, v3, vm0, $0xb8;
	[tilespmem:$0x10100] =	vst v63  }
0x185: {  	s19 =	simm.s32 $0x7100  }
0x186: {  	[hbm4b:s6+s2] =	stream.indirect_vreg.scatter [tilespmem:s19], [sflag:$0x1], $0x80, v3, vm0, $0xb8;
	[tilespmem:$0x10100] =	vst v63  }
0x187: {  	s18 =	simm.s32 $0x7900  }
0x188: {  	[hbm4b:s7+s2] =	stream.indirect_vreg.scatter [tilespmem:s18], [sflag:$0x1], $0x80, v3, vm0, $0xb8;
	[tilespmem:$0x10100] =	vst v63  }
0x189: {  	v3 =	vld [tilespmem:$0x20];
	_ =	sdelay $0x4  }
0x18a: {  	v62 =	vshll.u32 v3, $0x3  }
0x18b: {  	v3 =	vand.u32 $0x7, v3;
	v4 =	vand.u32 $0xFFFFFFC0, v62  }
0x18c: {  	v3 =	vor.u32 v3, v4  }
0x18d: {  	v4 =	vperm.xlane v3, v0;
	_ =	sdelay $0x1  }
0x18e: {  	v4 =	vadd.s32 v1, v4;
	_ =	sdelay $0x3  }
0x18f: {  	s19 =	simm.s32 $0x8100  }
0x190: {  	[hbm4b:s3+s2] =	stream.indirect_vreg.scatter [tilespmem:s19], [sflag:$0x1], $0x80, v4, vm0, $0xb8;
	[tilespmem:$0x10100] =	vst v63  }
0x191: {  	s23 =	simm.s32 $0x8900;
	v3 =	vperm.xlane v3, v2  }
0x192: {  	[hbm4b:s5+s2] =	stream.indirect_vreg.scatter [tilespmem:s23], [sflag:$0x1], $0x80, v4, vm0, $0xb8;
	[tilespmem:$0x10100] =	vst v63  }
0x193: {  	s22 =	simm.s32 $0x9100;
	v3 =	vadd.s32 v1, v3  }
0x194: {  	[hbm4b:s6+s2] =	stream.indirect_vreg.scatter [tilespmem:s22], [sflag:$0x1], $0x80, v4, vm0, $0xb8;
	[tilespmem:$0x10100] =	vst v63  }
0x195: {  	s31 =	simm.s32 $0x9900  }
0x196: {  	[hbm4b:s7+s2] =	stream.indirect_vreg.scatter [tilespmem:s31], [sflag:$0x1], $0x80, v4, vm0, $0xb8;
	[tilespmem:$0x10100] =	vst v63  }
0x197: {  	s24 =	simm.s32 $0xA100  }
0x198: {  	[hbm4b:s3+s2] =	stream.indirect_vreg.scatter [tilespmem:s24], [sflag:$0x1], $0x80, v3, vm0, $0xb8;
	[tilespmem:$0x10100] =	vst v63  }
0x199: {  	s1 =	simm.s32 $0xA900  }
0x19a: {  	[hbm4b:s5+s2] =	stream.indirect_vreg.scatter [tilespmem:s1], [sflag:$0x1], $0x80, v3, vm0, $0xb8;
	[tilespmem:$0x10100] =	vst v63  }
0x19b: {  	s4 =	simm.s32 $0xB100  }
0x19c: {  	[hbm4b:s6+s2] =	stream.indirect_vreg.scatter [tilespmem:s4], [sflag:$0x1], $0x80, v3, vm0, $0xb8;
	[tilespmem:$0x10100] =	vst v63  }
0x19d: {  	s30 =	simm.s32 $0xB900  }
0x19e: {  	[hbm4b:s7+s2] =	stream.indirect_vreg.scatter [tilespmem:s30], [sflag:$0x1], $0x80, v3, vm0, $0xb8;
	[tilespmem:$0x10100] =	vst v63  }
0x19f: {  	v3 =	vld [tilespmem:$0x30];
	_ =	sdelay $0x4  }
0x1a0: {  	v63 =	vshll.u32 v3, $0x3  }
0x1a1: {  	v3 =	vand.u32 $0x7, v3;
	v4 =	vand.u32 $0xFFFFFFC0, v63  }
0x1a2: {  	v3 =	vor.u32 v3, v4  }
0x1a3: {  	v4 =	vperm.xlane v3, v0;
	_ =	sdelay $0x1  }
0x1a4: {  	v4 =	vadd.s32 v1, v4;
	_ =	sdelay $0x3  }
0x1a5: {  	s28 =	simm.s32 $0xC100  }
0x1a6: {  	[hbm4b:s3+s2] =	stream.indirect_vreg.scatter [tilespmem:s28], [sflag:$0x1], $0x80, v4, vm0, $0xb8;
	[tilespmem:$0x10100] =	vst v63  }
0x1a7: {  	s29 =	simm.s32 $0xC900;
	v3 =	vperm.xlane v3, v2  }
0x1a8: {  	[hbm4b:s5+s2] =	stream.indirect_vreg.scatter [tilespmem:s29], [sflag:$0x1], $0x80, v4, vm0, $0xb8;
	[tilespmem:$0x10100] =	vst v63  }
0x1a9: {  	s11 =	simm.s32 $0xD100;
	v3 =	vadd.s32 v1, v3  }
0x1aa: {  	[hbm4b:s6+s2] =	stream.indirect_vreg.scatter [tilespmem:s11], [sflag:$0x1], $0x80, v4, vm0, $0xb8;
	[tilespmem:$0x10100] =	vst v63  }
0x1ab: {  	s12 =	simm.s32 $0xD900  }
0x1ac: {  	[hbm4b:s7+s2] =	stream.indirect_vreg.scatter [tilespmem:s12], [sflag:$0x1], $0x80, v4, vm0, $0xb8;
	[tilespmem:$0x10100] =	vst v63  }
0x1ad: {  	s13 =	simm.s32 $0xE100  }
0x1ae: {  	[hbm4b:s3+s2] =	stream.indirect_vreg.scatter [tilespmem:s13], [sflag:$0x1], $0x80, v3, vm0, $0xb8;
	[tilespmem:$0x10100] =	vst v63  }
0x1af: {  	s14 =	simm.s32 $0xE900  }
0x1b0: {  	[hbm4b:s5+s2] =	stream.indirect_vreg.scatter [tilespmem:s14], [sflag:$0x1], $0x80, v3, vm0, $0xb8;
	[tilespmem:$0x10100] =	vst v63  }
0x1b1: {  	s25 =	simm.s32 $0xF100  }
0x1b2: {  	[hbm4b:s6+s2] =	stream.indirect_vreg.scatter [tilespmem:s25], [sflag:$0x1], $0x80, v3, vm0, $0xb8;
	[tilespmem:$0x10100] =	vst v63  }
0x1b3: {  	s26 =	simm.s32 $0xF900  }
0x1b4: {  	[hbm4b:s7+s2] =	stream.indirect_vreg.scatter [tilespmem:s26], [sflag:$0x1], $0x80, v3, vm0, $0xb8;
	[tilespmem:$0x10100] =	vst v63  }
0x1b5: {  	_ =	swait.ge [sflag:s20], $0x10000  }
0x1b6: {  	[sflag:s20] =	ssyncset.done $0x0  }
0x1b7: {  	s30 =	rddreg [dreg:$0xf];
	[sflag:s20] =	ssyncadd.s32 $0xFFFF0000  }
0x1b8: {  	[tilespmem:s21], [sflag:$0x2] =	stream.linear.gather [hbm4b:s30+s2], $0x40, $0x38;
	[tilespmem:$0x10100] =	vst v63  }
0x1b9: {  	_ =	swait.ge [sflag:s9], $0x40  }
0x1ba: {  	p0 =	sne.s32 s8, $0x1;
	[sflag:s9] =	ssyncset.done $0x0  }
.Ltmp0:
0x1bb: {  	s31 =	simm.s32 $0x40;
	[sflag:s9] =	ssyncadd.s32 $0xFFFFFFC0;
	(pc) =	sbr.rel @p0 .LBB2_1-.Ltmp0, $4  }
0x1bc: {  	[hbm4b:s0+s31] =	stream.indirect.scatter [tilespmem:s21], [sflag:$0x1], $0x1, s2, s31, $0xb8;
	[tilespmem:$0x10100] =	vst v63  }
0x1bd: {  	_ =	swait.ge [sflag:s20], $0x40  }
0x1be: {  	[sflag:s20] =	ssyncset.done $0x0  }
0x1bf: {  	s8 =	sadd.s32 $0xFFFFFFFF, s8;
	[sflag:s20] =	ssyncadd.s32 $0xFFFFFFC0  }
0x1c0: {  	_ =	sfence.sel $0x180000  }
0x1c1: {  	[bflag:$0x0] =	sbarrier.arrive $0xFFFF  }
0x1c2: {  	_ =	strace $0x90000047  }
0x1c3: {  	s0 =	stileid.u32;
	[bflag:$0x2] =	sbarrier.arrive $0xFFFF  }
0x1c4: {  	p0 =	sne.s32 s0, $0x0;
	s0 =	rddreg [dreg:$0x3]  }
0x1c5: {  	s0 =	sadd.s32 @!p0 $0x100000, s0  }
0x1c6: {  	[sflag:s0] =	ssyncadd.tile.s32 @!p0 $0x1;
	_ =	shalt  }
.Lfunc_end2:
_tile_overlayer_lowered:
.L_overlay_start_2:
0x1c7: {  	(tag) =	ssettag $0x2  }
0x1c8: {  	s0 =	rddreg [dreg:$0x0];
	s2 =	stileid.u32  }
0x1c9: {  	s1 =	rddreg [dreg:$0x1];
	p0 =	sne.s32 s2, $0x0  }
0x1ca: {  	s3 =	rddreg [dreg:$0x2];
	[bflag:$0x3] =	sbarrier.arrive $0xFFFF;
	s2 =	simm.s32 @!p0 $0x1C02  }
0x1cb: {  	[timem:s3], [sflag:s2] =	dma.local @!p0 [hbm:s0], s1  }
0x1cc: {  	s0 =	simm.s32 @!p0 $0x2  }
0x1cd: {  	_ =	swait.ge @!p0 [sflag:s0], s1  }
0x1ce: {  	s1 =	ssub.s32 @!p0 $0x0, s1;
	[sflag:s0] =	ssyncset.done @!p0 $0x0  }
0x1cf: {  	[sflag:s0] =	ssyncadd.s32 @!p0 s1  }
0x1d0: {  	[bflag:$0x3] =	sbarrier.arrive $0xFFFF  }
0x1d1: {  	_ =	shalt  }

</sc_bundles>
